<compile_context>
chip_gen: v7x
topology: tpu7x:2x2x1
jax: 0.10.2.dev20260603
libtpu: 0.0.44.dev20260713+nightly
codegen_flags: <defaults>
</compile_context>

<pallas_src>
import functools

import jax
import jax.numpy as jnp
from jax import lax
from jax.experimental import pallas as pl
from jax.experimental.pallas import tpu as pltpu
from jax.experimental.pallas import tpu_sc as plsc

N = 10000
E = 320000
D = 128
H = 8
C = 16
DFF = 512
EPS = 1e-06

NC = 2
NS = 16
NW = NC * NS
EPW = E // NW
K = 40
CHUNKS = EPW // K
ROW_S = 32
ROW_D = 16
ACC_W = 144
NPT = N // NS
ZROWS = 125


def _prep_body(x_ref, wl_ref, atl_ref, atr_ref, a_ref, b_ref, st_ref, dt_ref):
    x = x_ref[...]
    mean = jnp.mean(x, axis=1, keepdims=True)
    xc = x - mean
    var = jnp.sum(xc * xc, axis=1, keepdims=True) / (D - 1)
    h = a_ref[...] * xc / (jnp.sqrt(var) + EPS) + b_ref[...]
    xl = jnp.dot(h, wl_ref[...], preferred_element_type=jnp.float32)
    al = jnp.dot(xl, atl_ref[...], preferred_element_type=jnp.float32)
    ar = jnp.dot(xl, atr_ref[...], preferred_element_type=jnp.float32)
    z8 = jnp.zeros((x.shape[0], 8), jnp.float32)
    st_ref[...] = jnp.concatenate([xl, al, z8], axis=1)
    dt_ref[...] = jnp.concatenate([ar, z8], axis=1)


def _prep(x, W_l, att_l, att_r, ln1_a, ln1_b):
    return pl.pallas_call(
        _prep_body,
        out_shape=(
            jax.ShapeDtypeStruct((N, ROW_S), jnp.float32),
            jax.ShapeDtypeStruct((N, ROW_D), jnp.float32),
        ),
    )(x, W_l, att_l, att_r, ln1_a.reshape(1, D), ln1_b.reshape(1, D))


def _edge_body(adj_hbm, st_hbm, dt_hbm, out_hbm,
               sidx, didx, srows_a, srows_b, drows_a, drows_b,
               contrib_a, contrib_b, acc,
               gs_a, gs_b, gd_a, gd_b, sc_a, sc_b):
    c = lax.axis_index("c")
    s = lax.axis_index("s")
    wid = c * NS + s

    pltpu.sync_copy(adj_hbm.at[0, wid], sidx)
    pltpu.sync_copy(adj_hbm.at[1, wid], didx)

    zv = jnp.zeros((16,), jnp.float32)

    def _zb(i, carry):
        contrib_a[i // (ACC_W // 16), pl.ds((i % (ACC_W // 16)) * 16, 16)] = zv
        return carry

    lax.fori_loop(0, K * (ACC_W // 16), _zb, 0)

    def _zacc(t, carry):
        pltpu.sync_copy(contrib_a, acc.at[pl.ds(s * NPT + t * K, K)])
        return carry

    lax.fori_loop(0, NPT // K, _zacc, 0)
    rem = NPT % K
    if rem:
        pltpu.sync_copy(contrib_a.at[pl.ds(0, rem)],
                        acc.at[pl.ds(s * NPT + (NPT // K) * K, rem)])
    plsc.subcore_barrier()

    def _gather_issue(j, srows, drows, gs, gd):
        pltpu.make_async_copy(st_hbm.at[sidx.at[j]], srows, gs).start()
        pltpu.make_async_copy(dt_hbm.at[didx.at[j]], drows, gd).start()

    def _gather_wait(j, srows, drows, gs, gd):
        pltpu.make_async_copy(st_hbm.at[sidx.at[j]], srows, gs).wait()
        pltpu.make_async_copy(dt_hbm.at[didx.at[j]], drows, gd).wait()

    def _scatter_issue(j, contrib, sem):
        pltpu.make_async_copy(contrib, acc.at[didx.at[j]], sem).start(add=True)

    def _scatter_wait(j, contrib, sem):
        pltpu.make_async_copy(contrib, acc.at[didx.at[j]], sem).wait()

    def _compute(srows, drows, contrib):
        def _edge(k, ecarry):
            xlv = srows[k, pl.ds(0, 16)]
            alv = srows[k, pl.ds(16, 16)]
            arv = drows[k, pl.ds(0, 16)]
            sc = alv + arv
            alpha = jnp.maximum(sc, sc * 0.2)
            p = jnp.exp(alpha)
            contrib[k, pl.ds(8 * C, 16)] = p
            for hh in range(H):
                contrib[k, pl.ds(hh * C, 16)] = p[hh] * xlv
            return ecarry

        lax.fori_loop(0, K, _edge, 0)

    _gather_issue(0, srows_a, drows_a, gs_a, gd_a)
    _gather_issue(1, srows_b, drows_b, gs_b, gd_b)

    def _pair(jj, carry):
        a = 2 * jj
        b = a + 1

        _gather_wait(a, srows_a, drows_a, gs_a, gd_a)

        @pl.when(jj > 0)
        def _():
            _scatter_wait(a - 2, contrib_a, sc_a)
        _compute(srows_a, drows_a, contrib_a)
        _scatter_issue(a, contrib_a, sc_a)

        @pl.when(jj < CHUNKS // 2 - 1)
        def _():
            _gather_issue(a + 2, srows_a, drows_a, gs_a, gd_a)

        _gather_wait(b, srows_b, drows_b, gs_b, gd_b)

        @pl.when(jj > 0)
        def _():
            _scatter_wait(b - 2, contrib_b, sc_b)
        _compute(srows_b, drows_b, contrib_b)
        _scatter_issue(b, contrib_b, sc_b)

        @pl.when(jj < CHUNKS // 2 - 1)
        def _():
            _gather_issue(b + 2, srows_b, drows_b, gs_b, gd_b)
        return carry

    lax.fori_loop(0, CHUNKS // 2, _pair, 0)
    _scatter_wait(CHUNKS - 2, contrib_a, sc_a)
    _scatter_wait(CHUNKS - 1, contrib_b, sc_b)
    plsc.subcore_barrier()

    def _wb(t, carry):
        pltpu.sync_copy(acc.at[pl.ds(s * NPT + t * ZROWS, ZROWS)],
                        out_hbm.at[c, pl.ds(s * NPT + t * ZROWS, ZROWS)])
        return carry

    lax.fori_loop(0, NPT // ZROWS, _wb, 0)


@functools.cache
def _edge_kernel():
    return pl.kernel(
        _edge_body,
        out_type=jax.ShapeDtypeStruct((NC, N, ACC_W), jnp.float32),
        mesh=plsc.VectorSubcoreMesh(core_axis_name="c", subcore_axis_name="s",
                                    num_cores=NC, num_subcores=NS),
        scratch_types=[
            pltpu.VMEM((CHUNKS, K), jnp.int32),
            pltpu.VMEM((CHUNKS, K), jnp.int32),
            pltpu.VMEM((K, ROW_S), jnp.float32),
            pltpu.VMEM((K, ROW_S), jnp.float32),
            pltpu.VMEM((K, ROW_D), jnp.float32),
            pltpu.VMEM((K, ROW_D), jnp.float32),
            pltpu.VMEM((K, ACC_W), jnp.float32),
            pltpu.VMEM((K, ACC_W), jnp.float32),
            pltpu.VMEM_SHARED((N, ACC_W), jnp.float32),
            pltpu.SemaphoreType.DMA,
            pltpu.SemaphoreType.DMA,
            pltpu.SemaphoreType.DMA,
            pltpu.SemaphoreType.DMA,
            pltpu.SemaphoreType.DMA,
            pltpu.SemaphoreType.DMA,
        ],
        compiler_params=pltpu.CompilerParams(use_tc_tiling_on_sc=False),
    )


BLK3 = 1000

import numpy as _np
_rep = _np.zeros((H, H * C), _np.float32)
_tile = _np.zeros((C, H * C), _np.float32)
for _h in range(H):
    _rep[_h, _h * C:(_h + 1) * C] = 1.0
    for _c in range(C):
        _tile[_c, _h * C + _c] = 1.0
_REP_MAT = _rep
_TILE_MAT = _tile


def _finish_body(x_ref, acc_ref, st_ref, dt_ref, bias_ref, a2_ref, b2_ref,
                 w1_ref, b1v_ref, w2_ref, b2v_ref, rep_ref, tile_ref, o_ref):
    xb = x_ref[...]
    a0 = acc_ref[0]
    a1 = acc_ref[1]
    xl = st_ref[:, 0:C]
    al = st_ref[:, C:C + H]
    ar = dt_ref[:, 0:H]
    t = al + ar
    alpha = jnp.maximum(t, t * 0.2)
    ps = jnp.exp(alpha)
    sv = a0[:, H * C:H * C + H] + a1[:, H * C:H * C + H] + ps
    ps_f = jnp.dot(ps, rep_ref[...], preferred_element_type=jnp.float32)
    xl_f = jnp.dot(xl, tile_ref[...], preferred_element_type=jnp.float32)
    recip_f = jnp.dot(1.0 / (sv + 1e-16), rep_ref[...],
                      preferred_element_type=jnp.float32)
    msg = a0[:, 0:H * C] + a1[:, 0:H * C] + ps_f * xl_f
    attn = msg * recip_f + bias_ref[...]
    x2 = xb + attn
    mean = jnp.mean(x2, axis=1, keepdims=True)
    xc = x2 - mean
    var = jnp.sum(xc * xc, axis=1, keepdims=True) / (D - 1)
    h2 = a2_ref[...] * xc / (jnp.sqrt(var) + EPS) + b2_ref[...]
    ff = jnp.maximum(
        jnp.dot(h2, w1_ref[...], preferred_element_type=jnp.float32)
        + b1v_ref[...], 0.0)
    ff = jnp.dot(ff, w2_ref[...], preferred_element_type=jnp.float32) \
        + b2v_ref[...]
    o_ref[...] = x2 + ff


def _finish(x, acc, st, dt, bias, ln2_a, ln2_b, W1, b1, W2, b2):
    nb = N // BLK3
    return pl.pallas_call(
        _finish_body,
        grid=(nb,),
        in_specs=[
            pl.BlockSpec((BLK3, D), lambda i: (i, 0)),
            pl.BlockSpec((NC, BLK3, ACC_W), lambda i: (0, i, 0)),
            pl.BlockSpec((BLK3, ROW_S), lambda i: (i, 0)),
            pl.BlockSpec((BLK3, ROW_D), lambda i: (i, 0)),
            pl.BlockSpec((1, D), lambda i: (0, 0)),
            pl.BlockSpec((1, D), lambda i: (0, 0)),
            pl.BlockSpec((1, D), lambda i: (0, 0)),
            pl.BlockSpec((D, DFF), lambda i: (0, 0)),
            pl.BlockSpec((1, DFF), lambda i: (0, 0)),
            pl.BlockSpec((DFF, D), lambda i: (0, 0)),
            pl.BlockSpec((1, D), lambda i: (0, 0)),
            pl.BlockSpec((H, D), lambda i: (0, 0)),
            pl.BlockSpec((C, D), lambda i: (0, 0)),
        ],
        out_specs=pl.BlockSpec((BLK3, D), lambda i: (i, 0)),
        out_shape=jax.ShapeDtypeStruct((N, D), jnp.float32),
    )(x, acc, st, dt, bias.reshape(1, D), ln2_a.reshape(1, D),
      ln2_b.reshape(1, D), W1, b1.reshape(1, DFF), W2, b2.reshape(1, D),
      _REP_MAT, _TILE_MAT)


def kernel(x, adj, W_l, att_l, att_r, bias, ln1_a, ln1_b, ln2_a, ln2_b,
           W1, b1, W2, b2):
    st, dt = _prep(x, W_l, att_l, att_r, ln1_a, ln1_b)
    acc = _edge_kernel()(adj.reshape(2, NW, CHUNKS, K), st, dt)
    return _finish(x, acc, st, dt, bias, ln2_a, ln2_b, W1, b1, W2, b2)

# --- scband reference (transcript-rebuilt; emitter-appended) ---
"""Pipeline reference for scband-encoder-layer-85736137163241 (READ-ONLY COPY).

The authoritative reference and input builder live on the scoring server;
editing this copy changes nothing except your own understanding.
"""

import jax, jax.numpy as jnp
import numpy as np

N = 10000
E = 320000
D = 128
H = 8
C = 16
DFF = 512
EPS = 1e-06


def _glorot(key, shape):
    fan_in, fan_out = shape[0], shape[1]
    limit = float(np.sqrt(6.0 / (fan_in + fan_out)))
    return jax.random.uniform(key, shape, dtype=jnp.float32, minval=-limit, maxval=limit)


def setup_inputs(seed: int = 0) -> dict:
    key = jax.random.key(seed)
    ks = jax.random.split(key, 16)
    x = jax.random.normal(ks[0], (N, D), dtype=jnp.float32)
    adj = jax.random.randint(ks[1], (2, E), 0, N, dtype=jnp.int32)
    W_l = _glorot(ks[2], (D, C))
    att_l = _glorot(ks[3], (C, H))
    att_r = _glorot(ks[4], (C, H))
    bias = jnp.zeros((H * C,), dtype=jnp.float32)
    ln1_a = jnp.ones((D,), dtype=jnp.float32)
    ln1_b = jnp.zeros((D,), dtype=jnp.float32)
    ln2_a = jnp.ones((D,), dtype=jnp.float32)
    ln2_b = jnp.zeros((D,), dtype=jnp.float32)
    W1 = _glorot(ks[5], (D, DFF))
    b1 = jnp.zeros((DFF,), dtype=jnp.float32)
    W2 = _glorot(ks[6], (DFF, D))
    b2 = jnp.zeros((D,), dtype=jnp.float32)
    return {"x": x, "adj": adj, "W_l": W_l, "att_l": att_l, "att_r": att_r,
            "bias": bias, "ln1_a": ln1_a, "ln1_b": ln1_b, "ln2_a": ln2_a,
            "ln2_b": ln2_b, "W1": W1, "b1": b1, "W2": W2, "b2": b2}


def _layer_norm(x, a, b):
    mean = x.mean(axis=-1, keepdims=True)
    std = jnp.std(x, axis=-1, keepdims=True, ddof=1)
    return a * (x - mean) / (std + EPS) + b


def _hga_conv(h, adj, W_l, att_l, att_r, bias):
    # lin_l == lin_r (shared since in_channels is int)
    xl = h @ W_l                       # [N, C]
    al = xl @ att_l                    # [N, H]
    ar = xl @ att_r                    # [N, H]
    # add self loops
    loops = jnp.arange(N, dtype=adj.dtype)
    adj2 = jnp.concatenate([adj, jnp.stack([loops, loops])], axis=1)
    src, dst = adj2[0], adj2[1]
    # edge score: a_l[src] + a_r[dst]
    score = al[src] + ar[dst]          # [E2, H]
    alpha = jax.nn.leaky_relu(score, 0.2)
    # segment softmax over destination nodes
    m = jax.ops.segment_max(alpha, dst, num_segments=N)
    m = jax.lax.stop_gradient(m)
    ex = jnp.exp(alpha - m[dst])
    s = jax.ops.segment_sum(ex, dst, num_segments=N)
    attw = ex / (s[dst] + 1e-16)       # [E2, H]
    # batched spmm: out[dst] += attw * xl[src]  (per head), then permute -> [N, H, C]
    msg = attw[:, :, None] * xl[src][:, None, :]   # [E2, H, C]
    out = jax.ops.segment_sum(msg, dst, num_segments=N)  # [N, H, C]
    out = out.reshape(N, H * C) + bias  # concat heads + bias
    return out


def reference(x, adj, W_l, att_l, att_r, bias, ln1_a, ln1_b, ln2_a, ln2_b, W1, b1, W2, b2):
    # sublayer 0: x + dropout(self_attn(norm(x), adj))  (eval mode, dropout=0)
    h = _layer_norm(x, ln1_a, ln1_b)
    x = x + _hga_conv(h, adj, W_l, att_l, att_r, bias)
    # sublayer 1: x + dropout(ffn(norm(x)))
    h2 = _layer_norm(x, ln2_a, ln2_b)
    ff = jax.nn.relu(h2 @ W1 + b1) @ W2 + b2
    return x + ff

if __name__ == "__main__":
    import jax
    _d = setup_inputs()
    print(jax.jit(kernel)(*tuple(_d.values())))

</pallas_src>

<mosaic_0001>
#map = affine_map<(d0, d1) -> (0, 0, 0, 0)>
#map1 = affine_map<(d0, d1) -> (0, 0)>
#map2 = affine_map<(d0, d1) -> (0, 0, 0)>
module attributes {stable_mosaic.version = 14 : i64} {
  func.func @_edge_body(%arg0: i32, %arg1: i32, %arg2: memref<2x32x250x40xi32, #tpu.memory_space<hbm>>, %arg3: memref<10000x32xf32, #tpu.memory_space<hbm>>, %arg4: memref<10000x16xf32, #tpu.memory_space<hbm>>, %arg5: memref<2x10000x144xf32, #tpu.memory_space<hbm>>, %arg6: memref<250x40xi32, #tpu.memory_space<vmem>>, %arg7: memref<250x40xi32, #tpu.memory_space<vmem>>, %arg8: memref<40x32xf32, #tpu.memory_space<vmem>>, %arg9: memref<40x32xf32, #tpu.memory_space<vmem>>, %arg10: memref<40x16xf32, #tpu.memory_space<vmem>>, %arg11: memref<40x16xf32, #tpu.memory_space<vmem>>, %arg12: memref<40x144xf32, #tpu.memory_space<vmem>>, %arg13: memref<40x144xf32, #tpu.memory_space<vmem>>, %arg14: memref<10000x144xf32, #tpu.memory_space<vmem_shared>>, %arg15: memref<!tpu.dma_semaphore, #tpu.memory_space<semaphore_mem>>, %arg16: memref<!tpu.dma_semaphore, #tpu.memory_space<semaphore_mem>>, %arg17: memref<!tpu.dma_semaphore, #tpu.memory_space<semaphore_mem>>, %arg18: memref<!tpu.dma_semaphore, #tpu.memory_space<semaphore_mem>>, %arg19: memref<!tpu.dma_semaphore, #tpu.memory_space<semaphore_mem>>, %arg20: memref<!tpu.dma_semaphore, #tpu.memory_space<semaphore_mem>>) attributes {dimension_semantics = [#tpu.dimension_semantics<core_parallel>, #tpu.dimension_semantics<subcore_parallel>], iteration_bounds = array<i64: 2, 16>, scalar_prefetch = 0 : i64, scratch_operands = 15 : i64, tpu.core_type = #tpu.core_type<sc_vector_subcore>, window_params = [{transform_indices = #map}, {transform_indices = #map1}, {transform_indices = #map1}, {transform_indices = #map2}]} {
    %mul3A = arith.constant 16 : i32
    %mul3A_0 = arith.muli %arg0, %mul3A : i32
    %add3A = arith.addi %mul3A_0, %arg1 : i32
    %run_scoped3A = arith.constant 0 : i32
    "tpu.region"() ({
      %run_scoped3A_71 = tpu.sem_alloc : memref<!tpu.dma_semaphore, #tpu.memory_space<semaphore_mem>>
      %dma_start3A_72 = arith.constant 0 : i32
      %dma_start3A_73 = arith.constant 0 : i32
      %dma_start3A_74 = tpu.memref_slice %arg2[%run_scoped3A, %add3A, %dma_start3A_72, %dma_start3A_73] : memref<2x32x250x40xi32, #tpu.memory_space<hbm>> -> memref<1x1x250x40xi32, #tpu.memory_space<hbm>>
      %dma_start3A_75 = tpu.memref_squeeze %dma_start3A_74 : memref<1x1x250x40xi32, #tpu.memory_space<hbm>> -> memref<250x40xi32, #tpu.memory_space<hbm>>
      %dma_start3A_76 = arith.constant 0 : i32
      %dma_start3A_77 = arith.constant 0 : i32
      %dma_start3A_78 = tpu.memref_slice %arg2[%run_scoped3A, %add3A, %dma_start3A_76, %dma_start3A_77] : memref<2x32x250x40xi32, #tpu.memory_space<hbm>> -> memref<1x1x250x40xi32, #tpu.memory_space<hbm>>
      %dma_start3A_79 = tpu.memref_squeeze %dma_start3A_78 : memref<1x1x250x40xi32, #tpu.memory_space<hbm>> -> memref<250x40xi32, #tpu.memory_space<hbm>>
      tpu.enqueue_dma source(%dma_start3A_79 : memref<250x40xi32, #tpu.memory_space<hbm>>) target(%arg6 : memref<250x40xi32, #tpu.memory_space<vmem>>) target_semaphore(%run_scoped3A_71 : memref<!tpu.dma_semaphore, #tpu.memory_space<semaphore_mem>>)
      %dma_wait3A_80 = arith.constant 0 : i32
      %dma_wait3A_81 = arith.constant 0 : i32
      %dma_wait3A_82 = tpu.memref_slice %arg2[%run_scoped3A, %add3A, %dma_wait3A_80, %dma_wait3A_81] : memref<2x32x250x40xi32, #tpu.memory_space<hbm>> -> memref<1x1x250x40xi32, #tpu.memory_space<hbm>>
      %dma_wait3A_83 = tpu.memref_squeeze %dma_wait3A_82 : memref<1x1x250x40xi32, #tpu.memory_space<hbm>> -> memref<250x40xi32, #tpu.memory_space<hbm>>
      %dma_wait3A_84 = arith.constant 0 : i32
      %dma_wait3A_85 = arith.constant 0 : i32
      %dma_wait3A_86 = tpu.memref_slice %arg2[%run_scoped3A, %add3A, %dma_wait3A_84, %dma_wait3A_85] : memref<2x32x250x40xi32, #tpu.memory_space<hbm>> -> memref<1x1x250x40xi32, #tpu.memory_space<hbm>>
      %dma_wait3A_87 = tpu.memref_squeeze %dma_wait3A_86 : memref<1x1x250x40xi32, #tpu.memory_space<hbm>> -> memref<250x40xi32, #tpu.memory_space<hbm>>
      tpu.wait_dma2 semaphore(%run_scoped3A_71 : memref<!tpu.dma_semaphore, #tpu.memory_space<semaphore_mem>>) src(%dma_wait3A_87 : memref<250x40xi32, #tpu.memory_space<hbm>>) dst(%arg6 : memref<250x40xi32, #tpu.memory_space<vmem>>)
      tpu.yield
    }) : () -> ()
    %run_scoped3A_1 = arith.constant 1 : i32
    "tpu.region"() ({
      %run_scoped3A_71 = tpu.sem_alloc : memref<!tpu.dma_semaphore, #tpu.memory_space<semaphore_mem>>
      %dma_start3A_72 = arith.constant 0 : i32
      %dma_start3A_73 = arith.constant 0 : i32
      %dma_start3A_74 = tpu.memref_slice %arg2[%run_scoped3A_1, %add3A, %dma_start3A_72, %dma_start3A_73] : memref<2x32x250x40xi32, #tpu.memory_space<hbm>> -> memref<1x1x250x40xi32, #tpu.memory_space<hbm>>
      %dma_start3A_75 = tpu.memref_squeeze %dma_start3A_74 : memref<1x1x250x40xi32, #tpu.memory_space<hbm>> -> memref<250x40xi32, #tpu.memory_space<hbm>>
      %dma_start3A_76 = arith.constant 0 : i32
      %dma_start3A_77 = arith.constant 0 : i32
      %dma_start3A_78 = tpu.memref_slice %arg2[%run_scoped3A_1, %add3A, %dma_start3A_76, %dma_start3A_77] : memref<2x32x250x40xi32, #tpu.memory_space<hbm>> -> memref<1x1x250x40xi32, #tpu.memory_space<hbm>>
      %dma_start3A_79 = tpu.memref_squeeze %dma_start3A_78 : memref<1x1x250x40xi32, #tpu.memory_space<hbm>> -> memref<250x40xi32, #tpu.memory_space<hbm>>
      tpu.enqueue_dma source(%dma_start3A_79 : memref<250x40xi32, #tpu.memory_space<hbm>>) target(%arg7 : memref<250x40xi32, #tpu.memory_space<vmem>>) target_semaphore(%run_scoped3A_71 : memref<!tpu.dma_semaphore, #tpu.memory_space<semaphore_mem>>)
      %dma_wait3A_80 = arith.constant 0 : i32
      %dma_wait3A_81 = arith.constant 0 : i32
      %dma_wait3A_82 = tpu.memref_slice %arg2[%run_scoped3A_1, %add3A, %dma_wait3A_80, %dma_wait3A_81] : memref<2x32x250x40xi32, #tpu.memory_space<hbm>> -> memref<1x1x250x40xi32, #tpu.memory_space<hbm>>
      %dma_wait3A_83 = tpu.memref_squeeze %dma_wait3A_82 : memref<1x1x250x40xi32, #tpu.memory_space<hbm>> -> memref<250x40xi32, #tpu.memory_space<hbm>>
      %dma_wait3A_84 = arith.constant 0 : i32
      %dma_wait3A_85 = arith.constant 0 : i32
      %dma_wait3A_86 = tpu.memref_slice %arg2[%run_scoped3A_1, %add3A, %dma_wait3A_84, %dma_wait3A_85] : memref<2x32x250x40xi32, #tpu.memory_space<hbm>> -> memref<1x1x250x40xi32, #tpu.memory_space<hbm>>
      %dma_wait3A_87 = tpu.memref_squeeze %dma_wait3A_86 : memref<1x1x250x40xi32, #tpu.memory_space<hbm>> -> memref<250x40xi32, #tpu.memory_space<hbm>>
      tpu.wait_dma2 semaphore(%run_scoped3A_71 : memref<!tpu.dma_semaphore, #tpu.memory_space<semaphore_mem>>) src(%dma_wait3A_87 : memref<250x40xi32, #tpu.memory_space<hbm>>) dst(%arg7 : memref<250x40xi32, #tpu.memory_space<vmem>>)
      tpu.yield
    }) : () -> ()
    %broadcast_in_dim3A = arith.constant 0.000000e+00 : f32
    %broadcast_in_dim3A_2 = vector.broadcast %broadcast_in_dim3A : f32 to vector<16xf32>
    %scan3A = arith.constant 0 : i32
    %scan3A_3 = arith.constant 0 : i32
    %scan3A_4 = arith.constant 360 : i32
    %scan3A_5 = arith.addi %scan3A_3, %scan3A_4 : i32
    %scan3A_6 = arith.constant 1 : i32
    scf.for %scan3A_71 = %scan3A_3 to %scan3A_5 step %scan3A_6  : i32 {
      %jit3A = arith.constant 9 : i32
      %div3A = arith.divsi %scan3A_71, %jit3A : i32
      %sign3A = arith.constant 0 : i32
      %sign3A_72 = arith.cmpi sgt, %scan3A_71, %sign3A : i32
      %sign3A_73 = arith.extui %sign3A_72 : i1 to i32
      %sign3A_74 = arith.constant 0 : i32
      %sign3A_75 = arith.cmpi slt, %scan3A_71, %sign3A_74 : i32
      %sign3A_76 = arith.extui %sign3A_75 : i1 to i32
      %sign3A_77 = arith.subi %sign3A_73, %sign3A_76 : i32
      %sign3A_78 = arith.constant 0 : i32
      %sign3A_79 = arith.cmpi sgt, %jit3A, %sign3A_78 : i32
      %sign3A_80 = arith.extui %sign3A_79 : i1 to i32
      %sign3A_81 = arith.constant 0 : i32
      %sign3A_82 = arith.cmpi slt, %jit3A, %sign3A_81 : i32
      %sign3A_83 = arith.extui %sign3A_82 : i1 to i32
      %sign3A_84 = arith.subi %sign3A_80, %sign3A_83 : i32
      %ne3A = arith.cmpi ne, %sign3A_77, %sign3A_84 : i32
      %rem3A = arith.remsi %scan3A_71, %jit3A : i32
      %ne3A_85 = arith.constant 0 : i32
      %ne3A_86 = arith.cmpi ne, %rem3A, %ne3A_85 : i32
      %and3A = arith.andi %ne3A, %ne3A_86 : i1
      %sub3A = arith.constant 1 : i32
      %sub3A_87 = arith.subi %div3A, %sub3A : i32
      %select_n3A = arith.select %and3A, %sub3A_87, %div3A : i32
      %jit3A_88 = arith.constant 9 : i32
      %eq3A = arith.constant 0 : i32
      %eq3A_89 = arith.cmpi eq, %jit3A_88, %eq3A : i32
      %jit3A_90 = arith.constant 1 : i32
      %select_n3A_91 = arith.select %eq3A_89, %jit3A_90, %jit3A_88 : i32
      %rem3A_92 = arith.remsi %scan3A_71, %select_n3A_91 : i32
      %ne3A_93 = arith.constant 0 : i32
      %ne3A_94 = arith.cmpi ne, %rem3A_92, %ne3A_93 : i32
      %lt3A = arith.constant 0 : i32
      %lt3A_95 = arith.cmpi slt, %rem3A_92, %lt3A : i32
      %lt3A_96 = arith.constant 0 : i32
      %lt3A_97 = arith.cmpi slt, %select_n3A_91, %lt3A_96 : i32
      %ne3A_98 = arith.xori %lt3A_95, %lt3A_97 : i1
      %and3A_99 = arith.andi %ne3A_98, %ne3A_94 : i1
      %add3A_100 = arith.addi %rem3A_92, %select_n3A_91 : i32
      %select_n3A_101 = arith.select %and3A_99, %add3A_100, %rem3A_92 : i32
      %mul3A_102 = arith.constant 16 : i32
      %mul3A_103 = arith.muli %select_n3A_101, %mul3A_102 : i32
      %swap3A = arith.index_cast %select_n3A : i32 to index
      %swap3A_104 = arith.index_cast %mul3A_103 : i32 to index
      %swap3A_105 = tpu.vector_load %arg12[%swap3A, %swap3A_104] {strides = array<i32>} : memref<40x144xf32, #tpu.memory_space<vmem>>, vector<1x16xf32>,
      %swap3A_106 = vector.shape_cast %swap3A_105 : vector<1x16xf32> to vector<16xf32>
      %swap3A_107 = vector.shape_cast %broadcast_in_dim3A_2 : vector<16xf32> to vector<1x16xf32>
      tpu.vector_store %arg12[%swap3A, %swap3A_104], %swap3A_107 {strides = array<i32>} : memref<40x144xf32, #tpu.memory_space<vmem>>, vector<1x16xf32>,
    }
    %scan3A_7 = arith.constant 360 : i32
    %scan3A_8 = arith.constant 0 : i32
    %scan3A_9 = arith.constant 0 : i32
    %scan3A_10 = arith.constant 15 : i32
    %scan3A_11 = arith.addi %scan3A_9, %scan3A_10 : i32
    %scan3A_12 = arith.constant 1 : i32
    scf.for %scan3A_71 = %scan3A_9 to %scan3A_11 step %scan3A_12  : i32 {
      %mul3A_72 = arith.constant 625 : i32
      %mul3A_73 = arith.muli %arg1, %mul3A_72 : i32
      %mul3A_74 = arith.constant 40 : i32
      %mul3A_75 = arith.muli %scan3A_71, %mul3A_74 : i32
      %add3A_76 = arith.addi %mul3A_73, %mul3A_75 : i32
      "tpu.region"() ({
        %run_scoped3A_77 = tpu.sem_alloc : memref<!tpu.dma_semaphore, #tpu.memory_space<semaphore_mem>>
        %dma_start3A_78 = arith.constant 0 : i32
        %dma_start3A_79 = tpu.memref_slice %arg14[%add3A_76, %dma_start3A_78] : memref<10000x144xf32, #tpu.memory_space<vmem_shared>> -> memref<40x144xf32, #tpu.memory_space<vmem_shared>>
        %dma_start3A_80 = arith.constant 0 : i32
        %dma_start3A_81 = tpu.memref_slice %arg14[%add3A_76, %dma_start3A_80] : memref<10000x144xf32, #tpu.memory_space<vmem_shared>> -> memref<40x144xf32, #tpu.memory_space<vmem_shared>>
        tpu.enqueue_dma source(%arg12 : memref<40x144xf32, #tpu.memory_space<vmem>>) target(%dma_start3A_81 : memref<40x144xf32, #tpu.memory_space<vmem_shared>>) target_semaphore(%run_scoped3A_77 : memref<!tpu.dma_semaphore, #tpu.memory_space<semaphore_mem>>)
        %dma_wait3A_82 = arith.constant 0 : i32
        %dma_wait3A_83 = tpu.memref_slice %arg14[%add3A_76, %dma_wait3A_82] : memref<10000x144xf32, #tpu.memory_space<vmem_shared>> -> memref<40x144xf32, #tpu.memory_space<vmem_shared>>
        %dma_wait3A_84 = arith.constant 0 : i32
        %dma_wait3A_85 = tpu.memref_slice %arg14[%add3A_76, %dma_wait3A_84] : memref<10000x144xf32, #tpu.memory_space<vmem_shared>> -> memref<40x144xf32, #tpu.memory_space<vmem_shared>>
        tpu.wait_dma2 semaphore(%run_scoped3A_77 : memref<!tpu.dma_semaphore, #tpu.memory_space<semaphore_mem>>) src(%arg12 : memref<40x144xf32, #tpu.memory_space<vmem>>) dst(%dma_wait3A_85 : memref<40x144xf32, #tpu.memory_space<vmem_shared>>)
        tpu.yield
      }) : () -> ()
    }
    %scan3A_13 = arith.constant 15 : i32
    %mul3A_14 = arith.constant 625 : i32
    %mul3A_15 = arith.muli %arg1, %mul3A_14 : i32
    %add3A_16 = arith.constant 600 : i32
    %add3A_17 = arith.addi %mul3A_15, %add3A_16 : i32
    "tpu.region"() ({
      %run_scoped3A_71 = tpu.sem_alloc : memref<!tpu.dma_semaphore, #tpu.memory_space<semaphore_mem>>
      %dma_start3A_72 = arith.constant 0 : i32
      %dma_start3A_73 = arith.constant 0 : i32
      %dma_start3A_74 = tpu.memref_slice %arg12[%dma_start3A_72, %dma_start3A_73] : memref<40x144xf32, #tpu.memory_space<vmem>> -> memref<25x144xf32, #tpu.memory_space<vmem>>
      %dma_start3A_75 = arith.constant 0 : i32
      %dma_start3A_76 = tpu.memref_slice %arg14[%add3A_17, %dma_start3A_75] : memref<10000x144xf32, #tpu.memory_space<vmem_shared>> -> memref<25x144xf32, #tpu.memory_space<vmem_shared>>
      %dma_start3A_77 = arith.constant 0 : i32
      %dma_start3A_78 = tpu.memref_slice %arg14[%add3A_17, %dma_start3A_77] : memref<10000x144xf32, #tpu.memory_space<vmem_shared>> -> memref<25x144xf32, #tpu.memory_space<vmem_shared>>
      %dma_start3A_79 = arith.constant 0 : i32
      %dma_start3A_80 = arith.constant 0 : i32
      %dma_start3A_81 = tpu.memref_slice %arg12[%dma_start3A_79, %dma_start3A_80] : memref<40x144xf32, #tpu.memory_space<vmem>> -> memref<25x144xf32, #tpu.memory_space<vmem>>
      tpu.enqueue_dma source(%dma_start3A_81 : memref<25x144xf32, #tpu.memory_space<vmem>>) target(%dma_start3A_78 : memref<25x144xf32, #tpu.memory_space<vmem_shared>>) target_semaphore(%run_scoped3A_71 : memref<!tpu.dma_semaphore, #tpu.memory_space<semaphore_mem>>)
      %dma_wait3A_82 = arith.constant 0 : i32
      %dma_wait3A_83 = arith.constant 0 : i32
      %dma_wait3A_84 = tpu.memref_slice %arg12[%dma_wait3A_82, %dma_wait3A_83] : memref<40x144xf32, #tpu.memory_space<vmem>> -> memref<25x144xf32, #tpu.memory_space<vmem>>
      %dma_wait3A_85 = arith.constant 0 : i32
      %dma_wait3A_86 = tpu.memref_slice %arg14[%add3A_17, %dma_wait3A_85] : memref<10000x144xf32, #tpu.memory_space<vmem_shared>> -> memref<25x144xf32, #tpu.memory_space<vmem_shared>>
      %dma_wait3A_87 = arith.constant 0 : i32
      %dma_wait3A_88 = tpu.memref_slice %arg14[%add3A_17, %dma_wait3A_87] : memref<10000x144xf32, #tpu.memory_space<vmem_shared>> -> memref<25x144xf32, #tpu.memory_space<vmem_shared>>
      %dma_wait3A_89 = arith.constant 0 : i32
      %dma_wait3A_90 = arith.constant 0 : i32
      %dma_wait3A_91 = tpu.memref_slice %arg12[%dma_wait3A_89, %dma_wait3A_90] : memref<40x144xf32, #tpu.memory_space<vmem>> -> memref<25x144xf32, #tpu.memory_space<vmem>>
      tpu.wait_dma2 semaphore(%run_scoped3A_71 : memref<!tpu.dma_semaphore, #tpu.memory_space<semaphore_mem>>) src(%dma_wait3A_91 : memref<25x144xf32, #tpu.memory_space<vmem>>) dst(%dma_wait3A_88 : memref<25x144xf32, #tpu.memory_space<vmem_shared>>)
      tpu.yield
    }) : () -> ()
    %barrier3A = arith.constant 0 : index
    tpu.barrier barrier_id(%barrier3A)
    %dma_start3A = arith.constant 0 : i32
    %dma_start3A_18 = arith.constant 0 : i32
    %dma_start3A_19 = tpu.memref_slice %arg6[%dma_start3A, %dma_start3A_18] : memref<250x40xi32, #tpu.memory_space<vmem>> -> memref<1x40xi32, #tpu.memory_space<vmem>>
    %dma_start3A_20 = tpu.memref_squeeze %dma_start3A_19 : memref<1x40xi32, #tpu.memory_space<vmem>> -> memref<40xi32, #tpu.memory_space<vmem>>
    %dma_start3A_21 = arith.constant 0 : i32
    %dma_start3A_22 = arith.constant 0 : i32
    %dma_start3A_23 = tpu.memref_slice %arg3[%dma_start3A_21, %dma_start3A_22] : memref<10000x32xf32, #tpu.memory_space<hbm>> -> memref<10000x32xf32, #tpu.memory_space<hbm>>
    tpu.enqueue_indirect_dma source(%dma_start3A_23 : memref<10000x32xf32, #tpu.memory_space<hbm>>) target(%arg8 : memref<40x32xf32, #tpu.memory_space<vmem>>) offsets(%dma_start3A_20 : memref<40xi32, #tpu.memory_space<vmem>>) semaphore(%arg15 : memref<!tpu.dma_semaphore, #tpu.memory_space<semaphore_mem>>)
    %dma_start3A_24 = arith.constant 0 : i32
    %dma_start3A_25 = arith.constant 0 : i32
    %dma_start3A_26 = tpu.memref_slice %arg7[%dma_start3A_24, %dma_start3A_25] : memref<250x40xi32, #tpu.memory_space<vmem>> -> memref<1x40xi32, #tpu.memory_space<vmem>>
    %dma_start3A_27 = tpu.memref_squeeze %dma_start3A_26 : memref<1x40xi32, #tpu.memory_space<vmem>> -> memref<40xi32, #tpu.memory_space<vmem>>
    %dma_start3A_28 = arith.constant 0 : i32
    %dma_start3A_29 = arith.constant 0 : i32
    %dma_start3A_30 = tpu.memref_slice %arg4[%dma_start3A_28, %dma_start3A_29] : memref<10000x16xf32, #tpu.memory_space<hbm>> -> memref<10000x16xf32, #tpu.memory_space<hbm>>
    tpu.enqueue_indirect_dma source(%dma_start3A_30 : memref<10000x16xf32, #tpu.memory_space<hbm>>) target(%arg10 : memref<40x16xf32, #tpu.memory_space<vmem>>) offsets(%dma_start3A_27 : memref<40xi32, #tpu.memory_space<vmem>>) semaphore(%arg17 : memref<!tpu.dma_semaphore, #tpu.memory_space<semaphore_mem>>)
    %dma_start3A_31 = arith.constant 1 : i32
    %dma_start3A_32 = arith.constant 0 : i32
    %dma_start3A_33 = tpu.memref_slice %arg6[%dma_start3A_31, %dma_start3A_32] : memref<250x40xi32, #tpu.memory_space<vmem>> -> memref<1x40xi32, #tpu.memory_space<vmem>>
    %dma_start3A_34 = tpu.memref_squeeze %dma_start3A_33 : memref<1x40xi32, #tpu.memory_space<vmem>> -> memref<40xi32, #tpu.memory_space<vmem>>
    %dma_start3A_35 = arith.constant 0 : i32
    %dma_start3A_36 = arith.constant 0 : i32
    %dma_start3A_37 = tpu.memref_slice %arg3[%dma_start3A_35, %dma_start3A_36] : memref<10000x32xf32, #tpu.memory_space<hbm>> -> memref<10000x32xf32, #tpu.memory_space<hbm>>
    tpu.enqueue_indirect_dma source(%dma_start3A_37 : memref<10000x32xf32, #tpu.memory_space<hbm>>) target(%arg9 : memref<40x32xf32, #tpu.memory_space<vmem>>) offsets(%dma_start3A_34 : memref<40xi32, #tpu.memory_space<vmem>>) semaphore(%arg16 : memref<!tpu.dma_semaphore, #tpu.memory_space<semaphore_mem>>)
    %dma_start3A_38 = arith.constant 1 : i32
    %dma_start3A_39 = arith.constant 0 : i32
    %dma_start3A_40 = tpu.memref_slice %arg7[%dma_start3A_38, %dma_start3A_39] : memref<250x40xi32, #tpu.memory_space<vmem>> -> memref<1x40xi32, #tpu.memory_space<vmem>>
    %dma_start3A_41 = tpu.memref_squeeze %dma_start3A_40 : memref<1x40xi32, #tpu.memory_space<vmem>> -> memref<40xi32, #tpu.memory_space<vmem>>
    %dma_start3A_42 = arith.constant 0 : i32
    %dma_start3A_43 = arith.constant 0 : i32
    %dma_start3A_44 = tpu.memref_slice %arg4[%dma_start3A_42, %dma_start3A_43] : memref<10000x16xf32, #tpu.memory_space<hbm>> -> memref<10000x16xf32, #tpu.memory_space<hbm>>
    tpu.enqueue_indirect_dma source(%dma_start3A_44 : memref<10000x16xf32, #tpu.memory_space<hbm>>) target(%arg11 : memref<40x16xf32, #tpu.memory_space<vmem>>) offsets(%dma_start3A_41 : memref<40xi32, #tpu.memory_space<vmem>>) semaphore(%arg18 : memref<!tpu.dma_semaphore, #tpu.memory_space<semaphore_mem>>)
    %scan3A_45 = arith.constant 0 : i32
    %scan3A_46 = arith.constant 0 : i32
    %scan3A_47 = arith.constant 125 : i32
    %scan3A_48 = arith.addi %scan3A_46, %scan3A_47 : i32
    %scan3A_49 = arith.constant 1 : i32
    scf.for %scan3A_71 = %scan3A_46 to %scan3A_48 step %scan3A_49  : i32 {
      %mul3A_72 = arith.constant 2 : i32
      %mul3A_73 = arith.muli %mul3A_72, %scan3A_71 : i32
      %add3A_74 = arith.constant 1 : i32
      %add3A_75 = arith.addi %mul3A_73, %add3A_74 : i32
      %dma_wait3A_76 = arith.constant 0 : i32
      %dma_wait3A_77 = tpu.memref_slice %arg6[%mul3A_73, %dma_wait3A_76] : memref<250x40xi32, #tpu.memory_space<vmem>> -> memref<1x40xi32, #tpu.memory_space<vmem>>
      %dma_wait3A_78 = tpu.memref_squeeze %dma_wait3A_77 : memref<1x40xi32, #tpu.memory_space<vmem>> -> memref<40xi32, #tpu.memory_space<vmem>>
      %dma_wait3A_79 = arith.constant 0 : i32
      %dma_wait3A_80 = arith.constant 0 : i32
      %dma_wait3A_81 = tpu.memref_slice %arg3[%dma_wait3A_79, %dma_wait3A_80] : memref<10000x32xf32, #tpu.memory_space<hbm>> -> memref<10000x32xf32, #tpu.memory_space<hbm>>
      tpu.wait_indirect_dma semaphore(%arg15 : memref<!tpu.dma_semaphore, #tpu.memory_space<semaphore_mem>>) src(%dma_wait3A_81 : memref<10000x32xf32, #tpu.memory_space<hbm>>) dst(%arg8 : memref<40x32xf32, #tpu.memory_space<vmem>>)
      %dma_wait3A_82 = arith.constant 0 : i32
      %dma_wait3A_83 = tpu.memref_slice %arg7[%mul3A_73, %dma_wait3A_82] : memref<250x40xi32, #tpu.memory_space<vmem>> -> memref<1x40xi32, #tpu.memory_space<vmem>>
      %dma_wait3A_84 = tpu.memref_squeeze %dma_wait3A_83 : memref<1x40xi32, #tpu.memory_space<vmem>> -> memref<40xi32, #tpu.memory_space<vmem>>
      %dma_wait3A_85 = arith.constant 0 : i32
      %dma_wait3A_86 = arith.constant 0 : i32
      %dma_wait3A_87 = tpu.memref_slice %arg4[%dma_wait3A_85, %dma_wait3A_86] : memref<10000x16xf32, #tpu.memory_space<hbm>> -> memref<10000x16xf32, #tpu.memory_space<hbm>>
      tpu.wait_indirect_dma semaphore(%arg17 : memref<!tpu.dma_semaphore, #tpu.memory_space<semaphore_mem>>) src(%dma_wait3A_87 : memref<10000x16xf32, #tpu.memory_space<hbm>>) dst(%arg10 : memref<40x16xf32, #tpu.memory_space<vmem>>)
      %gt3A = arith.constant 0 : i32
      %gt3A_88 = arith.cmpi sgt, %scan3A_71, %gt3A : i32
      %convert_element_type3A = arith.extui %gt3A_88 : i1 to i32
      %cond3A = arith.constant 0 : i32
      %cond3A_89 = arith.cmpi ne, %convert_element_type3A, %cond3A : i32
      scf.if %cond3A_89 {
        %sub3A = arith.constant 2 : i32
        %sub3A_140 = arith.subi %mul3A_73, %sub3A : i32
        %dma_wait3A_141 = arith.constant 0 : i32
        %dma_wait3A_142 = tpu.memref_slice %arg7[%sub3A_140, %dma_wait3A_141] : memref<250x40xi32, #tpu.memory_space<vmem>> -> memref<1x40xi32, #tpu.memory_space<vmem>>
        %dma_wait3A_143 = tpu.memref_squeeze %dma_wait3A_142 : memref<1x40xi32, #tpu.memory_space<vmem>> -> memref<40xi32, #tpu.memory_space<vmem>>
        %dma_wait3A_144 = arith.constant 0 : i32
        %dma_wait3A_145 = arith.constant 0 : i32
        %dma_wait3A_146 = tpu.memref_slice %arg14[%dma_wait3A_144, %dma_wait3A_145] : memref<10000x144xf32, #tpu.memory_space<vmem_shared>> -> memref<10000x144xf32, #tpu.memory_space<vmem_shared>>
        tpu.wait_indirect_dma semaphore(%arg19 : memref<!tpu.dma_semaphore, #tpu.memory_space<semaphore_mem>>) src(%arg12 : memref<40x144xf32, #tpu.memory_space<vmem>>) dst(%dma_wait3A_146 : memref<10000x144xf32, #tpu.memory_space<vmem_shared>>)
      } else {
      }
      %scan3A_90 = arith.constant 0 : i32
      %scan3A_91 = arith.constant 0 : i32
      %scan3A_92 = arith.constant 40 : i32
      %scan3A_93 = arith.addi %scan3A_91, %scan3A_92 : i32
      %scan3A_94 = arith.constant 1 : i32
      scf.for %scan3A_140 = %scan3A_91 to %scan3A_93 step %scan3A_94  : i32 {
        %get3A = arith.index_cast %scan3A_140 : i32 to index
        %get3A_141 = arith.constant 0 : index
        %get3A_142 = tpu.vector_load %arg8[%get3A, %get3A_141] {strides = array<i32>} : memref<40x32xf32, #tpu.memory_space<vmem>>, vector<1x16xf32>,
        %get3A_143 = vector.shape_cast %get3A_142 : vector<1x16xf32> to vector<16xf32>
        %get3A_144 = arith.index_cast %scan3A_140 : i32 to index
        %get3A_145 = arith.constant 16 : index
        %get3A_146 = tpu.vector_load %arg8[%get3A_144, %get3A_145] {strides = array<i32>} : memref<40x32xf32, #tpu.memory_space<vmem>>, vector<1x16xf32>,
        %get3A_147 = vector.shape_cast %get3A_146 : vector<1x16xf32> to vector<16xf32>
        %get3A_148 = arith.index_cast %scan3A_140 : i32 to index
        %get3A_149 = arith.constant 0 : index
        %get3A_150 = tpu.vector_load %arg10[%get3A_148, %get3A_149] {strides = array<i32>} : memref<40x16xf32, #tpu.memory_space<vmem>>, vector<1x16xf32>,
        %get3A_151 = vector.shape_cast %get3A_150 : vector<1x16xf32> to vector<16xf32>
        %add3A_152 = arith.addf %get3A_147, %get3A_151 : vector<16xf32>
        %mul3A_153 = arith.constant 2.000000e-01 : f32
        %mul3A_154 = vector.broadcast %mul3A_153 : f32 to vector<16xf32>
        %mul3A_155 = arith.mulf %add3A_152, %mul3A_154 : vector<16xf32>
        %max3A = arith.maximumf %add3A_152, %mul3A_155 : vector<16xf32>
        %exp3A = math.exp %max3A : vector<16xf32>
        %swap3A = arith.index_cast %scan3A_140 : i32 to index
        %swap3A_156 = arith.constant 128 : index
        %swap3A_157 = tpu.vector_load %arg12[%swap3A, %swap3A_156] {strides = array<i32>} : memref<40x144xf32, #tpu.memory_space<vmem>>, vector<1x16xf32>,
        %swap3A_158 = vector.shape_cast %swap3A_157 : vector<1x16xf32> to vector<16xf32>
        %swap3A_159 = vector.shape_cast %exp3A : vector<16xf32> to vector<1x16xf32>
        tpu.vector_store %arg12[%swap3A, %swap3A_156], %swap3A_159 {strides = array<i32>} : memref<40x144xf32, #tpu.memory_space<vmem>>, vector<1x16xf32>,
        %slice3A = vector.extract_strided_slice %exp3A {offsets = [0], sizes = [1], strides = [1]} : vector<16xf32> to vector<1xf32>
        %squeeze3A = vector.extract %slice3A[0] : f32 from vector<1xf32>
        %mul3A_160 = vector.broadcast %squeeze3A : f32 to vector<16xf32>
        %mul3A_161 = arith.mulf %mul3A_160, %get3A_143 : vector<16xf32>
        %swap3A_162 = arith.index_cast %scan3A_140 : i32 to index
        %swap3A_163 = arith.constant 0 : index
        %swap3A_164 = tpu.vector_load %arg12[%swap3A_162, %swap3A_163] {strides = array<i32>} : memref<40x144xf32, #tpu.memory_space<vmem>>, vector<1x16xf32>,
        %swap3A_165 = vector.shape_cast %swap3A_164 : vector<1x16xf32> to vector<16xf32>
        %swap3A_166 = vector.shape_cast %mul3A_161 : vector<16xf32> to vector<1x16xf32>
        tpu.vector_store %arg12[%swap3A_162, %swap3A_163], %swap3A_166 {strides = array<i32>} : memref<40x144xf32, #tpu.memory_space<vmem>>, vector<1x16xf32>,
        %slice3A_167 = vector.extract_strided_slice %exp3A {offsets = [1], sizes = [1], strides = [1]} : vector<16xf32> to vector<1xf32>
        %squeeze3A_168 = vector.extract %slice3A_167[0] : f32 from vector<1xf32>
        %mul3A_169 = vector.broadcast %squeeze3A_168 : f32 to vector<16xf32>
        %mul3A_170 = arith.mulf %mul3A_169, %get3A_143 : vector<16xf32>
        %swap3A_171 = arith.index_cast %scan3A_140 : i32 to index
        %swap3A_172 = arith.constant 16 : index
        %swap3A_173 = tpu.vector_load %arg12[%swap3A_171, %swap3A_172] {strides = array<i32>} : memref<40x144xf32, #tpu.memory_space<vmem>>, vector<1x16xf32>,
        %swap3A_174 = vector.shape_cast %swap3A_173 : vector<1x16xf32> to vector<16xf32>
        %swap3A_175 = vector.shape_cast %mul3A_170 : vector<16xf32> to vector<1x16xf32>
        tpu.vector_store %arg12[%swap3A_171, %swap3A_172], %swap3A_175 {strides = array<i32>} : memref<40x144xf32, #tpu.memory_space<vmem>>, vector<1x16xf32>,
        %slice3A_176 = vector.extract_strided_slice %exp3A {offsets = [2], sizes = [1], strides = [1]} : vector<16xf32> to vector<1xf32>
        %squeeze3A_177 = vector.extract %slice3A_176[0] : f32 from vector<1xf32>
        %mul3A_178 = vector.broadcast %squeeze3A_177 : f32 to vector<16xf32>
        %mul3A_179 = arith.mulf %mul3A_178, %get3A_143 : vector<16xf32>
        %swap3A_180 = arith.index_cast %scan3A_140 : i32 to index
        %swap3A_181 = arith.constant 32 : index
        %swap3A_182 = tpu.vector_load %arg12[%swap3A_180, %swap3A_181] {strides = array<i32>} : memref<40x144xf32, #tpu.memory_space<vmem>>, vector<1x16xf32>,
        %swap3A_183 = vector.shape_cast %swap3A_182 : vector<1x16xf32> to vector<16xf32>
        %swap3A_184 = vector.shape_cast %mul3A_179 : vector<16xf32> to vector<1x16xf32>
        tpu.vector_store %arg12[%swap3A_180, %swap3A_181], %swap3A_184 {strides = array<i32>} : memref<40x144xf32, #tpu.memory_space<vmem>>, vector<1x16xf32>,
        %slice3A_185 = vector.extract_strided_slice %exp3A {offsets = [3], sizes = [1], strides = [1]} : vector<16xf32> to vector<1xf32>
        %squeeze3A_186 = vector.extract %slice3A_185[0] : f32 from vector<1xf32>
        %mul3A_187 = vector.broadcast %squeeze3A_186 : f32 to vector<16xf32>
        %mul3A_188 = arith.mulf %mul3A_187, %get3A_143 : vector<16xf32>
        %swap3A_189 = arith.index_cast %scan3A_140 : i32 to index
        %swap3A_190 = arith.constant 48 : index
        %swap3A_191 = tpu.vector_load %arg12[%swap3A_189, %swap3A_190] {strides = array<i32>} : memref<40x144xf32, #tpu.memory_space<vmem>>, vector<1x16xf32>,
        %swap3A_192 = vector.shape_cast %swap3A_191 : vector<1x16xf32> to vector<16xf32>
        %swap3A_193 = vector.shape_cast %mul3A_188 : vector<16xf32> to vector<1x16xf32>
        tpu.vector_store %arg12[%swap3A_189, %swap3A_190], %swap3A_193 {strides = array<i32>} : memref<40x144xf32, #tpu.memory_space<vmem>>, vector<1x16xf32>,
        %slice3A_194 = vector.extract_strided_slice %exp3A {offsets = [4], sizes = [1], strides = [1]} : vector<16xf32> to vector<1xf32>
        %squeeze3A_195 = vector.extract %slice3A_194[0] : f32 from vector<1xf32>
        %mul3A_196 = vector.broadcast %squeeze3A_195 : f32 to vector<16xf32>
        %mul3A_197 = arith.mulf %mul3A_196, %get3A_143 : vector<16xf32>
        %swap3A_198 = arith.index_cast %scan3A_140 : i32 to index
        %swap3A_199 = arith.constant 64 : index
        %swap3A_200 = tpu.vector_load %arg12[%swap3A_198, %swap3A_199] {strides = array<i32>} : memref<40x144xf32, #tpu.memory_space<vmem>>, vector<1x16xf32>,
        %swap3A_201 = vector.shape_cast %swap3A_200 : vector<1x16xf32> to vector<16xf32>
        %swap3A_202 = vector.shape_cast %mul3A_197 : vector<16xf32> to vector<1x16xf32>
        tpu.vector_store %arg12[%swap3A_198, %swap3A_199], %swap3A_202 {strides = array<i32>} : memref<40x144xf32, #tpu.memory_space<vmem>>, vector<1x16xf32>,
        %slice3A_203 = vector.extract_strided_slice %exp3A {offsets = [5], sizes = [1], strides = [1]} : vector<16xf32> to vector<1xf32>
        %squeeze3A_204 = vector.extract %slice3A_203[0] : f32 from vector<1xf32>
        %mul3A_205 = vector.broadcast %squeeze3A_204 : f32 to vector<16xf32>
        %mul3A_206 = arith.mulf %mul3A_205, %get3A_143 : vector<16xf32>
        %swap3A_207 = arith.index_cast %scan3A_140 : i32 to index
        %swap3A_208 = arith.constant 80 : index
        %swap3A_209 = tpu.vector_load %arg12[%swap3A_207, %swap3A_208] {strides = array<i32>} : memref<40x144xf32, #tpu.memory_space<vmem>>, vector<1x16xf32>,
        %swap3A_210 = vector.shape_cast %swap3A_209 : vector<1x16xf32> to vector<16xf32>
        %swap3A_211 = vector.shape_cast %mul3A_206 : vector<16xf32> to vector<1x16xf32>
        tpu.vector_store %arg12[%swap3A_207, %swap3A_208], %swap3A_211 {strides = array<i32>} : memref<40x144xf32, #tpu.memory_space<vmem>>, vector<1x16xf32>,
        %slice3A_212 = vector.extract_strided_slice %exp3A {offsets = [6], sizes = [1], strides = [1]} : vector<16xf32> to vector<1xf32>
        %squeeze3A_213 = vector.extract %slice3A_212[0] : f32 from vector<1xf32>
        %mul3A_214 = vector.broadcast %squeeze3A_213 : f32 to vector<16xf32>
        %mul3A_215 = arith.mulf %mul3A_214, %get3A_143 : vector<16xf32>
        %swap3A_216 = arith.index_cast %scan3A_140 : i32 to index
        %swap3A_217 = arith.constant 96 : index
        %swap3A_218 = tpu.vector_load %arg12[%swap3A_216, %swap3A_217] {strides = array<i32>} : memref<40x144xf32, #tpu.memory_space<vmem>>, vector<1x16xf32>,
        %swap3A_219 = vector.shape_cast %swap3A_218 : vector<1x16xf32> to vector<16xf32>
        %swap3A_220 = vector.shape_cast %mul3A_215 : vector<16xf32> to vector<1x16xf32>
        tpu.vector_store %arg12[%swap3A_216, %swap3A_217], %swap3A_220 {strides = array<i32>} : memref<40x144xf32, #tpu.memory_space<vmem>>, vector<1x16xf32>,
        %slice3A_221 = vector.extract_strided_slice %exp3A {offsets = [7], sizes = [1], strides = [1]} : vector<16xf32> to vector<1xf32>
        %squeeze3A_222 = vector.extract %slice3A_221[0] : f32 from vector<1xf32>
        %mul3A_223 = vector.broadcast %squeeze3A_222 : f32 to vector<16xf32>
        %mul3A_224 = arith.mulf %mul3A_223, %get3A_143 : vector<16xf32>
        %swap3A_225 = arith.index_cast %scan3A_140 : i32 to index
        %swap3A_226 = arith.constant 112 : index
        %swap3A_227 = tpu.vector_load %arg12[%swap3A_225, %swap3A_226] {strides = array<i32>} : memref<40x144xf32, #tpu.memory_space<vmem>>, vector<1x16xf32>,
        %swap3A_228 = vector.shape_cast %swap3A_227 : vector<1x16xf32> to vector<16xf32>
        %swap3A_229 = vector.shape_cast %mul3A_224 : vector<16xf32> to vector<1x16xf32>
        tpu.vector_store %arg12[%swap3A_225, %swap3A_226], %swap3A_229 {strides = array<i32>} : memref<40x144xf32, #tpu.memory_space<vmem>>, vector<1x16xf32>,
      }
      %scan3A_95 = arith.constant 40 : i32
      %dma_start3A_96 = arith.constant 0 : i32
      %dma_start3A_97 = tpu.memref_slice %arg7[%mul3A_73, %dma_start3A_96] : memref<250x40xi32, #tpu.memory_space<vmem>> -> memref<1x40xi32, #tpu.memory_space<vmem>>
      %dma_start3A_98 = tpu.memref_squeeze %dma_start3A_97 : memref<1x40xi32, #tpu.memory_space<vmem>> -> memref<40xi32, #tpu.memory_space<vmem>>
      %dma_start3A_99 = arith.constant 0 : i32
      %dma_start3A_100 = arith.constant 0 : i32
      %dma_start3A_101 = tpu.memref_slice %arg14[%dma_start3A_99, %dma_start3A_100] : memref<10000x144xf32, #tpu.memory_space<vmem_shared>> -> memref<10000x144xf32, #tpu.memory_space<vmem_shared>>
      tpu.enqueue_indirect_dma source(%arg12 : memref<40x144xf32, #tpu.memory_space<vmem>>) target(%dma_start3A_101 : memref<10000x144xf32, #tpu.memory_space<vmem_shared>>) offsets(%dma_start3A_98 : memref<40xi32, #tpu.memory_space<vmem>>) semaphore(%arg19 : memref<!tpu.dma_semaphore, #tpu.memory_space<semaphore_mem>>) {add = true}
      %lt3A = arith.constant 124 : i32
      %lt3A_102 = arith.cmpi slt, %scan3A_71, %lt3A : i32
      %convert_element_type3A_103 = arith.extui %lt3A_102 : i1 to i32
      %cond3A_104 = arith.constant 0 : i32
      %cond3A_105 = arith.cmpi ne, %convert_element_type3A_103, %cond3A_104 : i32
      scf.if %cond3A_105 {
        %add3A_140 = arith.constant 2 : i32
        %add3A_141 = arith.addi %mul3A_73, %add3A_140 : i32
        %dma_start3A_142 = arith.constant 0 : i32
        %dma_start3A_143 = tpu.memref_slice %arg6[%add3A_141, %dma_start3A_142] : memref<250x40xi32, #tpu.memory_space<vmem>> -> memref<1x40xi32, #tpu.memory_space<vmem>>
        %dma_start3A_144 = tpu.memref_squeeze %dma_start3A_143 : memref<1x40xi32, #tpu.memory_space<vmem>> -> memref<40xi32, #tpu.memory_space<vmem>>
        %dma_start3A_145 = arith.constant 0 : i32
        %dma_start3A_146 = arith.constant 0 : i32
        %dma_start3A_147 = tpu.memref_slice %arg3[%dma_start3A_145, %dma_start3A_146] : memref<10000x32xf32, #tpu.memory_space<hbm>> -> memref<10000x32xf32, #tpu.memory_space<hbm>>
        tpu.enqueue_indirect_dma source(%dma_start3A_147 : memref<10000x32xf32, #tpu.memory_space<hbm>>) target(%arg8 : memref<40x32xf32, #tpu.memory_space<vmem>>) offsets(%dma_start3A_144 : memref<40xi32, #tpu.memory_space<vmem>>) semaphore(%arg15 : memref<!tpu.dma_semaphore, #tpu.memory_space<semaphore_mem>>)
        %dma_start3A_148 = arith.constant 0 : i32
        %dma_start3A_149 = tpu.memref_slice %arg7[%add3A_141, %dma_start3A_148] : memref<250x40xi32, #tpu.memory_space<vmem>> -> memref<1x40xi32, #tpu.memory_space<vmem>>
        %dma_start3A_150 = tpu.memref_squeeze %dma_start3A_149 : memref<1x40xi32, #tpu.memory_space<vmem>> -> memref<40xi32, #tpu.memory_space<vmem>>
        %dma_start3A_151 = arith.constant 0 : i32
        %dma_start3A_152 = arith.constant 0 : i32
        %dma_start3A_153 = tpu.memref_slice %arg4[%dma_start3A_151, %dma_start3A_152] : memref<10000x16xf32, #tpu.memory_space<hbm>> -> memref<10000x16xf32, #tpu.memory_space<hbm>>
        tpu.enqueue_indirect_dma source(%dma_start3A_153 : memref<10000x16xf32, #tpu.memory_space<hbm>>) target(%arg10 : memref<40x16xf32, #tpu.memory_space<vmem>>) offsets(%dma_start3A_150 : memref<40xi32, #tpu.memory_space<vmem>>) semaphore(%arg17 : memref<!tpu.dma_semaphore, #tpu.memory_space<semaphore_mem>>)
      } else {
      }
      %dma_wait3A_106 = arith.constant 0 : i32
      %dma_wait3A_107 = tpu.memref_slice %arg6[%add3A_75, %dma_wait3A_106] : memref<250x40xi32, #tpu.memory_space<vmem>> -> memref<1x40xi32, #tpu.memory_space<vmem>>
      %dma_wait3A_108 = tpu.memref_squeeze %dma_wait3A_107 : memref<1x40xi32, #tpu.memory_space<vmem>> -> memref<40xi32, #tpu.memory_space<vmem>>
      %dma_wait3A_109 = arith.constant 0 : i32
      %dma_wait3A_110 = arith.constant 0 : i32
      %dma_wait3A_111 = tpu.memref_slice %arg3[%dma_wait3A_109, %dma_wait3A_110] : memref<10000x32xf32, #tpu.memory_space<hbm>> -> memref<10000x32xf32, #tpu.memory_space<hbm>>
      tpu.wait_indirect_dma semaphore(%arg16 : memref<!tpu.dma_semaphore, #tpu.memory_space<semaphore_mem>>) src(%dma_wait3A_111 : memref<10000x32xf32, #tpu.memory_space<hbm>>) dst(%arg9 : memref<40x32xf32, #tpu.memory_space<vmem>>)
      %dma_wait3A_112 = arith.constant 0 : i32
      %dma_wait3A_113 = tpu.memref_slice %arg7[%add3A_75, %dma_wait3A_112] : memref<250x40xi32, #tpu.memory_space<vmem>> -> memref<1x40xi32, #tpu.memory_space<vmem>>
      %dma_wait3A_114 = tpu.memref_squeeze %dma_wait3A_113 : memref<1x40xi32, #tpu.memory_space<vmem>> -> memref<40xi32, #tpu.memory_space<vmem>>
      %dma_wait3A_115 = arith.constant 0 : i32
      %dma_wait3A_116 = arith.constant 0 : i32
      %dma_wait3A_117 = tpu.memref_slice %arg4[%dma_wait3A_115, %dma_wait3A_116] : memref<10000x16xf32, #tpu.memory_space<hbm>> -> memref<10000x16xf32, #tpu.memory_space<hbm>>
      tpu.wait_indirect_dma semaphore(%arg18 : memref<!tpu.dma_semaphore, #tpu.memory_space<semaphore_mem>>) src(%dma_wait3A_117 : memref<10000x16xf32, #tpu.memory_space<hbm>>) dst(%arg11 : memref<40x16xf32, #tpu.memory_space<vmem>>)
      %gt3A_118 = arith.constant 0 : i32
      %gt3A_119 = arith.cmpi sgt, %scan3A_71, %gt3A_118 : i32
      %convert_element_type3A_120 = arith.extui %gt3A_119 : i1 to i32
      %cond3A_121 = arith.constant 0 : i32
      %cond3A_122 = arith.cmpi ne, %convert_element_type3A_120, %cond3A_121 : i32
      scf.if %cond3A_122 {
        %sub3A = arith.constant 2 : i32
        %sub3A_140 = arith.subi %add3A_75, %sub3A : i32
        %dma_wait3A_141 = arith.constant 0 : i32
        %dma_wait3A_142 = tpu.memref_slice %arg7[%sub3A_140, %dma_wait3A_141] : memref<250x40xi32, #tpu.memory_space<vmem>> -> memref<1x40xi32, #tpu.memory_space<vmem>>
        %dma_wait3A_143 = tpu.memref_squeeze %dma_wait3A_142 : memref<1x40xi32, #tpu.memory_space<vmem>> -> memref<40xi32, #tpu.memory_space<vmem>>
        %dma_wait3A_144 = arith.constant 0 : i32
        %dma_wait3A_145 = arith.constant 0 : i32
        %dma_wait3A_146 = tpu.memref_slice %arg14[%dma_wait3A_144, %dma_wait3A_145] : memref<10000x144xf32, #tpu.memory_space<vmem_shared>> -> memref<10000x144xf32, #tpu.memory_space<vmem_shared>>
        tpu.wait_indirect_dma semaphore(%arg20 : memref<!tpu.dma_semaphore, #tpu.memory_space<semaphore_mem>>) src(%arg13 : memref<40x144xf32, #tpu.memory_space<vmem>>) dst(%dma_wait3A_146 : memref<10000x144xf32, #tpu.memory_space<vmem_shared>>)
      } else {
      }
      %scan3A_123 = arith.constant 0 : i32
      %scan3A_124 = arith.constant 0 : i32
      %scan3A_125 = arith.constant 40 : i32
      %scan3A_126 = arith.addi %scan3A_124, %scan3A_125 : i32
      %scan3A_127 = arith.constant 1 : i32
      scf.for %scan3A_140 = %scan3A_124 to %scan3A_126 step %scan3A_127  : i32 {
        %get3A = arith.index_cast %scan3A_140 : i32 to index
        %get3A_141 = arith.constant 0 : index
        %get3A_142 = tpu.vector_load %arg9[%get3A, %get3A_141] {strides = array<i32>} : memref<40x32xf32, #tpu.memory_space<vmem>>, vector<1x16xf32>,
        %get3A_143 = vector.shape_cast %get3A_142 : vector<1x16xf32> to vector<16xf32>
        %get3A_144 = arith.index_cast %scan3A_140 : i32 to index
        %get3A_145 = arith.constant 16 : index
        %get3A_146 = tpu.vector_load %arg9[%get3A_144, %get3A_145] {strides = array<i32>} : memref<40x32xf32, #tpu.memory_space<vmem>>, vector<1x16xf32>,
        %get3A_147 = vector.shape_cast %get3A_146 : vector<1x16xf32> to vector<16xf32>
        %get3A_148 = arith.index_cast %scan3A_140 : i32 to index
        %get3A_149 = arith.constant 0 : index
        %get3A_150 = tpu.vector_load %arg11[%get3A_148, %get3A_149] {strides = array<i32>} : memref<40x16xf32, #tpu.memory_space<vmem>>, vector<1x16xf32>,
        %get3A_151 = vector.shape_cast %get3A_150 : vector<1x16xf32> to vector<16xf32>
        %add3A_152 = arith.addf %get3A_147, %get3A_151 : vector<16xf32>
        %mul3A_153 = arith.constant 2.000000e-01 : f32
        %mul3A_154 = vector.broadcast %mul3A_153 : f32 to vector<16xf32>
        %mul3A_155 = arith.mulf %add3A_152, %mul3A_154 : vector<16xf32>
        %max3A = arith.maximumf %add3A_152, %mul3A_155 : vector<16xf32>
        %exp3A = math.exp %max3A : vector<16xf32>
        %swap3A = arith.index_cast %scan3A_140 : i32 to index
        %swap3A_156 = arith.constant 128 : index
        %swap3A_157 = tpu.vector_load %arg13[%swap3A, %swap3A_156] {strides = array<i32>} : memref<40x144xf32, #tpu.memory_space<vmem>>, vector<1x16xf32>,
        %swap3A_158 = vector.shape_cast %swap3A_157 : vector<1x16xf32> to vector<16xf32>
        %swap3A_159 = vector.shape_cast %exp3A : vector<16xf32> to vector<1x16xf32>
        tpu.vector_store %arg13[%swap3A, %swap3A_156], %swap3A_159 {strides = array<i32>} : memref<40x144xf32, #tpu.memory_space<vmem>>, vector<1x16xf32>,
        %slice3A = vector.extract_strided_slice %exp3A {offsets = [0], sizes = [1], strides = [1]} : vector<16xf32> to vector<1xf32>
        %squeeze3A = vector.extract %slice3A[0] : f32 from vector<1xf32>
        %mul3A_160 = vector.broadcast %squeeze3A : f32 to vector<16xf32>
        %mul3A_161 = arith.mulf %mul3A_160, %get3A_143 : vector<16xf32>
        %swap3A_162 = arith.index_cast %scan3A_140 : i32 to index
        %swap3A_163 = arith.constant 0 : index
        %swap3A_164 = tpu.vector_load %arg13[%swap3A_162, %swap3A_163] {strides = array<i32>} : memref<40x144xf32, #tpu.memory_space<vmem>>, vector<1x16xf32>,
        %swap3A_165 = vector.shape_cast %swap3A_164 : vector<1x16xf32> to vector<16xf32>
        %swap3A_166 = vector.shape_cast %mul3A_161 : vector<16xf32> to vector<1x16xf32>
        tpu.vector_store %arg13[%swap3A_162, %swap3A_163], %swap3A_166 {strides = array<i32>} : memref<40x144xf32, #tpu.memory_space<vmem>>, vector<1x16xf32>,
        %slice3A_167 = vector.extract_strided_slice %exp3A {offsets = [1], sizes = [1], strides = [1]} : vector<16xf32> to vector<1xf32>
        %squeeze3A_168 = vector.extract %slice3A_167[0] : f32 from vector<1xf32>
        %mul3A_169 = vector.broadcast %squeeze3A_168 : f32 to vector<16xf32>
        %mul3A_170 = arith.mulf %mul3A_169, %get3A_143 : vector<16xf32>
        %swap3A_171 = arith.index_cast %scan3A_140 : i32 to index
        %swap3A_172 = arith.constant 16 : index
        %swap3A_173 = tpu.vector_load %arg13[%swap3A_171, %swap3A_172] {strides = array<i32>} : memref<40x144xf32, #tpu.memory_space<vmem>>, vector<1x16xf32>,
        %swap3A_174 = vector.shape_cast %swap3A_173 : vector<1x16xf32> to vector<16xf32>
        %swap3A_175 = vector.shape_cast %mul3A_170 : vector<16xf32> to vector<1x16xf32>
        tpu.vector_store %arg13[%swap3A_171, %swap3A_172], %swap3A_175 {strides = array<i32>} : memref<40x144xf32, #tpu.memory_space<vmem>>, vector<1x16xf32>,
        %slice3A_176 = vector.extract_strided_slice %exp3A {offsets = [2], sizes = [1], strides = [1]} : vector<16xf32> to vector<1xf32>
        %squeeze3A_177 = vector.extract %slice3A_176[0] : f32 from vector<1xf32>
        %mul3A_178 = vector.broadcast %squeeze3A_177 : f32 to vector<16xf32>
        %mul3A_179 = arith.mulf %mul3A_178, %get3A_143 : vector<16xf32>
        %swap3A_180 = arith.index_cast %scan3A_140 : i32 to index
        %swap3A_181 = arith.constant 32 : index
        %swap3A_182 = tpu.vector_load %arg13[%swap3A_180, %swap3A_181] {strides = array<i32>} : memref<40x144xf32, #tpu.memory_space<vmem>>, vector<1x16xf32>,
        %swap3A_183 = vector.shape_cast %swap3A_182 : vector<1x16xf32> to vector<16xf32>
        %swap3A_184 = vector.shape_cast %mul3A_179 : vector<16xf32> to vector<1x16xf32>
        tpu.vector_store %arg13[%swap3A_180, %swap3A_181], %swap3A_184 {strides = array<i32>} : memref<40x144xf32, #tpu.memory_space<vmem>>, vector<1x16xf32>,
        %slice3A_185 = vector.extract_strided_slice %exp3A {offsets = [3], sizes = [1], strides = [1]} : vector<16xf32> to vector<1xf32>
        %squeeze3A_186 = vector.extract %slice3A_185[0] : f32 from vector<1xf32>
        %mul3A_187 = vector.broadcast %squeeze3A_186 : f32 to vector<16xf32>
        %mul3A_188 = arith.mulf %mul3A_187, %get3A_143 : vector<16xf32>
        %swap3A_189 = arith.index_cast %scan3A_140 : i32 to index
        %swap3A_190 = arith.constant 48 : index
        %swap3A_191 = tpu.vector_load %arg13[%swap3A_189, %swap3A_190] {strides = array<i32>} : memref<40x144xf32, #tpu.memory_space<vmem>>, vector<1x16xf32>,
        %swap3A_192 = vector.shape_cast %swap3A_191 : vector<1x16xf32> to vector<16xf32>
        %swap3A_193 = vector.shape_cast %mul3A_188 : vector<16xf32> to vector<1x16xf32>
        tpu.vector_store %arg13[%swap3A_189, %swap3A_190], %swap3A_193 {strides = array<i32>} : memref<40x144xf32, #tpu.memory_space<vmem>>, vector<1x16xf32>,
        %slice3A_194 = vector.extract_strided_slice %exp3A {offsets = [4], sizes = [1], strides = [1]} : vector<16xf32> to vector<1xf32>
        %squeeze3A_195 = vector.extract %slice3A_194[0] : f32 from vector<1xf32>
        %mul3A_196 = vector.broadcast %squeeze3A_195 : f32 to vector<16xf32>
        %mul3A_197 = arith.mulf %mul3A_196, %get3A_143 : vector<16xf32>
        %swap3A_198 = arith.index_cast %scan3A_140 : i32 to index
        %swap3A_199 = arith.constant 64 : index
        %swap3A_200 = tpu.vector_load %arg13[%swap3A_198, %swap3A_199] {strides = array<i32>} : memref<40x144xf32, #tpu.memory_space<vmem>>, vector<1x16xf32>,
        %swap3A_201 = vector.shape_cast %swap3A_200 : vector<1x16xf32> to vector<16xf32>
        %swap3A_202 = vector.shape_cast %mul3A_197 : vector<16xf32> to vector<1x16xf32>
        tpu.vector_store %arg13[%swap3A_198, %swap3A_199], %swap3A_202 {strides = array<i32>} : memref<40x144xf32, #tpu.memory_space<vmem>>, vector<1x16xf32>,
        %slice3A_203 = vector.extract_strided_slice %exp3A {offsets = [5], sizes = [1], strides = [1]} : vector<16xf32> to vector<1xf32>
        %squeeze3A_204 = vector.extract %slice3A_203[0] : f32 from vector<1xf32>
        %mul3A_205 = vector.broadcast %squeeze3A_204 : f32 to vector<16xf32>
        %mul3A_206 = arith.mulf %mul3A_205, %get3A_143 : vector<16xf32>
        %swap3A_207 = arith.index_cast %scan3A_140 : i32 to index
        %swap3A_208 = arith.constant 80 : index
        %swap3A_209 = tpu.vector_load %arg13[%swap3A_207, %swap3A_208] {strides = array<i32>} : memref<40x144xf32, #tpu.memory_space<vmem>>, vector<1x16xf32>,
        %swap3A_210 = vector.shape_cast %swap3A_209 : vector<1x16xf32> to vector<16xf32>
        %swap3A_211 = vector.shape_cast %mul3A_206 : vector<16xf32> to vector<1x16xf32>
        tpu.vector_store %arg13[%swap3A_207, %swap3A_208], %swap3A_211 {strides = array<i32>} : memref<40x144xf32, #tpu.memory_space<vmem>>, vector<1x16xf32>,
        %slice3A_212 = vector.extract_strided_slice %exp3A {offsets = [6], sizes = [1], strides = [1]} : vector<16xf32> to vector<1xf32>
        %squeeze3A_213 = vector.extract %slice3A_212[0] : f32 from vector<1xf32>
        %mul3A_214 = vector.broadcast %squeeze3A_213 : f32 to vector<16xf32>
        %mul3A_215 = arith.mulf %mul3A_214, %get3A_143 : vector<16xf32>
        %swap3A_216 = arith.index_cast %scan3A_140 : i32 to index
        %swap3A_217 = arith.constant 96 : index
        %swap3A_218 = tpu.vector_load %arg13[%swap3A_216, %swap3A_217] {strides = array<i32>} : memref<40x144xf32, #tpu.memory_space<vmem>>, vector<1x16xf32>,
        %swap3A_219 = vector.shape_cast %swap3A_218 : vector<1x16xf32> to vector<16xf32>
        %swap3A_220 = vector.shape_cast %mul3A_215 : vector<16xf32> to vector<1x16xf32>
        tpu.vector_store %arg13[%swap3A_216, %swap3A_217], %swap3A_220 {strides = array<i32>} : memref<40x144xf32, #tpu.memory_space<vmem>>, vector<1x16xf32>,
        %slice3A_221 = vector.extract_strided_slice %exp3A {offsets = [7], sizes = [1], strides = [1]} : vector<16xf32> to vector<1xf32>
        %squeeze3A_222 = vector.extract %slice3A_221[0] : f32 from vector<1xf32>
        %mul3A_223 = vector.broadcast %squeeze3A_222 : f32 to vector<16xf32>
        %mul3A_224 = arith.mulf %mul3A_223, %get3A_143 : vector<16xf32>
        %swap3A_225 = arith.index_cast %scan3A_140 : i32 to index
        %swap3A_226 = arith.constant 112 : index
        %swap3A_227 = tpu.vector_load %arg13[%swap3A_225, %swap3A_226] {strides = array<i32>} : memref<40x144xf32, #tpu.memory_space<vmem>>, vector<1x16xf32>,
        %swap3A_228 = vector.shape_cast %swap3A_227 : vector<1x16xf32> to vector<16xf32>
        %swap3A_229 = vector.shape_cast %mul3A_224 : vector<16xf32> to vector<1x16xf32>
        tpu.vector_store %arg13[%swap3A_225, %swap3A_226], %swap3A_229 {strides = array<i32>} : memref<40x144xf32, #tpu.memory_space<vmem>>, vector<1x16xf32>,
      }
      %scan3A_128 = arith.constant 40 : i32
      %dma_start3A_129 = arith.constant 0 : i32
      %dma_start3A_130 = tpu.memref_slice %arg7[%add3A_75, %dma_start3A_129] : memref<250x40xi32, #tpu.memory_space<vmem>> -> memref<1x40xi32, #tpu.memory_space<vmem>>
      %dma_start3A_131 = tpu.memref_squeeze %dma_start3A_130 : memref<1x40xi32, #tpu.memory_space<vmem>> -> memref<40xi32, #tpu.memory_space<vmem>>
      %dma_start3A_132 = arith.constant 0 : i32
      %dma_start3A_133 = arith.constant 0 : i32
      %dma_start3A_134 = tpu.memref_slice %arg14[%dma_start3A_132, %dma_start3A_133] : memref<10000x144xf32, #tpu.memory_space<vmem_shared>> -> memref<10000x144xf32, #tpu.memory_space<vmem_shared>>
      tpu.enqueue_indirect_dma source(%arg13 : memref<40x144xf32, #tpu.memory_space<vmem>>) target(%dma_start3A_134 : memref<10000x144xf32, #tpu.memory_space<vmem_shared>>) offsets(%dma_start3A_131 : memref<40xi32, #tpu.memory_space<vmem>>) semaphore(%arg20 : memref<!tpu.dma_semaphore, #tpu.memory_space<semaphore_mem>>) {add = true}
      %lt3A_135 = arith.constant 124 : i32
      %lt3A_136 = arith.cmpi slt, %scan3A_71, %lt3A_135 : i32
      %convert_element_type3A_137 = arith.extui %lt3A_136 : i1 to i32
      %cond3A_138 = arith.constant 0 : i32
      %cond3A_139 = arith.cmpi ne, %convert_element_type3A_137, %cond3A_138 : i32
      scf.if %cond3A_139 {
        %add3A_140 = arith.constant 2 : i32
        %add3A_141 = arith.addi %add3A_75, %add3A_140 : i32
        %dma_start3A_142 = arith.constant 0 : i32
        %dma_start3A_143 = tpu.memref_slice %arg6[%add3A_141, %dma_start3A_142] : memref<250x40xi32, #tpu.memory_space<vmem>> -> memref<1x40xi32, #tpu.memory_space<vmem>>
        %dma_start3A_144 = tpu.memref_squeeze %dma_start3A_143 : memref<1x40xi32, #tpu.memory_space<vmem>> -> memref<40xi32, #tpu.memory_space<vmem>>
        %dma_start3A_145 = arith.constant 0 : i32
        %dma_start3A_146 = arith.constant 0 : i32
        %dma_start3A_147 = tpu.memref_slice %arg3[%dma_start3A_145, %dma_start3A_146] : memref<10000x32xf32, #tpu.memory_space<hbm>> -> memref<10000x32xf32, #tpu.memory_space<hbm>>
        tpu.enqueue_indirect_dma source(%dma_start3A_147 : memref<10000x32xf32, #tpu.memory_space<hbm>>) target(%arg9 : memref<40x32xf32, #tpu.memory_space<vmem>>) offsets(%dma_start3A_144 : memref<40xi32, #tpu.memory_space<vmem>>) semaphore(%arg16 : memref<!tpu.dma_semaphore, #tpu.memory_space<semaphore_mem>>)
        %dma_start3A_148 = arith.constant 0 : i32
        %dma_start3A_149 = tpu.memref_slice %arg7[%add3A_141, %dma_start3A_148] : memref<250x40xi32, #tpu.memory_space<vmem>> -> memref<1x40xi32, #tpu.memory_space<vmem>>
        %dma_start3A_150 = tpu.memref_squeeze %dma_start3A_149 : memref<1x40xi32, #tpu.memory_space<vmem>> -> memref<40xi32, #tpu.memory_space<vmem>>
        %dma_start3A_151 = arith.constant 0 : i32
        %dma_start3A_152 = arith.constant 0 : i32
        %dma_start3A_153 = tpu.memref_slice %arg4[%dma_start3A_151, %dma_start3A_152] : memref<10000x16xf32, #tpu.memory_space<hbm>> -> memref<10000x16xf32, #tpu.memory_space<hbm>>
        tpu.enqueue_indirect_dma source(%dma_start3A_153 : memref<10000x16xf32, #tpu.memory_space<hbm>>) target(%arg11 : memref<40x16xf32, #tpu.memory_space<vmem>>) offsets(%dma_start3A_150 : memref<40xi32, #tpu.memory_space<vmem>>) semaphore(%arg18 : memref<!tpu.dma_semaphore, #tpu.memory_space<semaphore_mem>>)
      } else {
      }
    }
    %scan3A_50 = arith.constant 125 : i32
    %dma_wait3A = arith.constant 248 : i32
    %dma_wait3A_51 = arith.constant 0 : i32
    %dma_wait3A_52 = tpu.memref_slice %arg7[%dma_wait3A, %dma_wait3A_51] : memref<250x40xi32, #tpu.memory_space<vmem>> -> memref<1x40xi32, #tpu.memory_space<vmem>>
    %dma_wait3A_53 = tpu.memref_squeeze %dma_wait3A_52 : memref<1x40xi32, #tpu.memory_space<vmem>> -> memref<40xi32, #tpu.memory_space<vmem>>
    %dma_wait3A_54 = arith.constant 0 : i32
    %dma_wait3A_55 = arith.constant 0 : i32
    %dma_wait3A_56 = tpu.memref_slice %arg14[%dma_wait3A_54, %dma_wait3A_55] : memref<10000x144xf32, #tpu.memory_space<vmem_shared>> -> memref<10000x144xf32, #tpu.memory_space<vmem_shared>>
    tpu.wait_indirect_dma semaphore(%arg19 : memref<!tpu.dma_semaphore, #tpu.memory_space<semaphore_mem>>) src(%arg12 : memref<40x144xf32, #tpu.memory_space<vmem>>) dst(%dma_wait3A_56 : memref<10000x144xf32, #tpu.memory_space<vmem_shared>>)
    %dma_wait3A_57 = arith.constant 249 : i32
    %dma_wait3A_58 = arith.constant 0 : i32
    %dma_wait3A_59 = tpu.memref_slice %arg7[%dma_wait3A_57, %dma_wait3A_58] : memref<250x40xi32, #tpu.memory_space<vmem>> -> memref<1x40xi32, #tpu.memory_space<vmem>>
    %dma_wait3A_60 = tpu.memref_squeeze %dma_wait3A_59 : memref<1x40xi32, #tpu.memory_space<vmem>> -> memref<40xi32, #tpu.memory_space<vmem>>
    %dma_wait3A_61 = arith.constant 0 : i32
    %dma_wait3A_62 = arith.constant 0 : i32
    %dma_wait3A_63 = tpu.memref_slice %arg14[%dma_wait3A_61, %dma_wait3A_62] : memref<10000x144xf32, #tpu.memory_space<vmem_shared>> -> memref<10000x144xf32, #tpu.memory_space<vmem_shared>>
    tpu.wait_indirect_dma semaphore(%arg20 : memref<!tpu.dma_semaphore, #tpu.memory_space<semaphore_mem>>) src(%arg13 : memref<40x144xf32, #tpu.memory_space<vmem>>) dst(%dma_wait3A_63 : memref<10000x144xf32, #tpu.memory_space<vmem_shared>>)
    %barrier3A_64 = arith.constant 0 : index
    tpu.barrier barrier_id(%barrier3A_64)
    %scan3A_65 = arith.constant 0 : i32
    %scan3A_66 = arith.constant 0 : i32
    %scan3A_67 = arith.constant 5 : i32
    %scan3A_68 = arith.addi %scan3A_66, %scan3A_67 : i32
    %scan3A_69 = arith.constant 1 : i32
    scf.for %scan3A_71 = %scan3A_66 to %scan3A_68 step %scan3A_69  : i32 {
      %mul3A_72 = arith.constant 625 : i32
      %mul3A_73 = arith.muli %arg1, %mul3A_72 : i32
      %mul3A_74 = arith.constant 125 : i32
      %mul3A_75 = arith.muli %scan3A_71, %mul3A_74 : i32
      %add3A_76 = arith.addi %mul3A_73, %mul3A_75 : i32
      %mul3A_77 = arith.constant 625 : i32
      %mul3A_78 = arith.muli %arg1, %mul3A_77 : i32
      %mul3A_79 = arith.constant 125 : i32
      %mul3A_80 = arith.muli %scan3A_71, %mul3A_79 : i32
      %add3A_81 = arith.addi %mul3A_78, %mul3A_80 : i32
      "tpu.region"() ({
        %run_scoped3A_82 = tpu.sem_alloc : memref<!tpu.dma_semaphore, #tpu.memory_space<semaphore_mem>>
        %dma_start3A_83 = arith.constant 0 : i32
        %dma_start3A_84 = tpu.memref_slice %arg5[%arg0, %add3A_81, %dma_start3A_83] : memref<2x10000x144xf32, #tpu.memory_space<hbm>> -> memref<1x125x144xf32, #tpu.memory_space<hbm>>
        %dma_start3A_85 = tpu.memref_squeeze %dma_start3A_84 : memref<1x125x144xf32, #tpu.memory_space<hbm>> -> memref<125x144xf32, #tpu.memory_space<hbm>>
        %dma_start3A_86 = arith.constant 0 : i32
        %dma_start3A_87 = tpu.memref_slice %arg14[%add3A_76, %dma_start3A_86] : memref<10000x144xf32, #tpu.memory_space<vmem_shared>> -> memref<125x144xf32, #tpu.memory_space<vmem_shared>>
        tpu.enqueue_dma source(%dma_start3A_87 : memref<125x144xf32, #tpu.memory_space<vmem_shared>>) target(%dma_start3A_85 : memref<125x144xf32, #tpu.memory_space<hbm>>) target_semaphore(%run_scoped3A_82 : memref<!tpu.dma_semaphore, #tpu.memory_space<semaphore_mem>>)
        %dma_wait3A_88 = arith.constant 0 : i32
        %dma_wait3A_89 = tpu.memref_slice %arg5[%arg0, %add3A_81, %dma_wait3A_88] : memref<2x10000x144xf32, #tpu.memory_space<hbm>> -> memref<1x125x144xf32, #tpu.memory_space<hbm>>
        %dma_wait3A_90 = tpu.memref_squeeze %dma_wait3A_89 : memref<1x125x144xf32, #tpu.memory_space<hbm>> -> memref<125x144xf32, #tpu.memory_space<hbm>>
        %dma_wait3A_91 = arith.constant 0 : i32
        %dma_wait3A_92 = tpu.memref_slice %arg14[%add3A_76, %dma_wait3A_91] : memref<10000x144xf32, #tpu.memory_space<vmem_shared>> -> memref<125x144xf32, #tpu.memory_space<vmem_shared>>
        tpu.wait_dma2 semaphore(%run_scoped3A_82 : memref<!tpu.dma_semaphore, #tpu.memory_space<semaphore_mem>>) src(%dma_wait3A_92 : memref<125x144xf32, #tpu.memory_space<vmem_shared>>) dst(%dma_wait3A_90 : memref<125x144xf32, #tpu.memory_space<hbm>>)
        tpu.yield
      }) : () -> ()
    }
    %scan3A_70 = arith.constant 5 : i32
    return
  }
}

module attributes {stable_mosaic.version = 14 : i64} {
  func.func @_prep_body(%arg0: memref<10000x128xf32, #tpu.memory_space<vmem>>, %arg1: memref<128x16xf32, #tpu.memory_space<vmem>>, %arg2: memref<16x8xf32, #tpu.memory_space<vmem>>, %arg3: memref<16x8xf32, #tpu.memory_space<vmem>>, %arg4: memref<1x128xf32, #tpu.memory_space<vmem>>, %arg5: memref<1x128xf32, #tpu.memory_space<vmem>>, %arg6: memref<10000x32xf32, #tpu.memory_space<vmem>>, %arg7: memref<10000x16xf32, #tpu.memory_space<vmem>>) attributes {dimension_semantics = [], scalar_prefetch = 0 : i64, scratch_operands = 0 : i64, tpu.core_type = #tpu.core_type<tc>} {
    %get3A = arith.constant 0 : index
    %get3A_0 = arith.constant 0 : index
    %get3A_1 = vector.load %arg0[%get3A, %get3A_0] : memref<10000x128xf32, #tpu.memory_space<vmem>>, vector<10000x128xf32>
    %reduce_sum3A = arith.constant dense<0.000000e+00> : vector<10000xf32>
    %reduce_sum3A_2 = vector.multi_reduction <add>, %get3A_1, %reduce_sum3A [1] : vector<10000x128xf32> to vector<10000xf32>
    %broadcast_in_dim3A = vector.shape_cast %reduce_sum3A_2 : vector<10000xf32> to vector<10000x1xf32>
    %div3A = arith.constant 1.280000e+02 : f32
    %div3A_3 = vector.broadcast %div3A : f32 to vector<10000x1xf32>
    %div3A_4 = arith.divf %broadcast_in_dim3A, %div3A_3 : vector<10000x1xf32>
    %sub3A = vector.broadcast %div3A_4 : vector<10000x1xf32> to vector<10000x128xf32>
    %sub3A_5 = arith.subf %get3A_1, %sub3A : vector<10000x128xf32>
    %mul3A = arith.mulf %sub3A_5, %sub3A_5 : vector<10000x128xf32>
    %reduce_sum3A_6 = arith.constant dense<0.000000e+00> : vector<10000xf32>
    %reduce_sum3A_7 = vector.multi_reduction <add>, %mul3A, %reduce_sum3A_6 [1] : vector<10000x128xf32> to vector<10000xf32>
    %broadcast_in_dim3A_8 = vector.shape_cast %reduce_sum3A_7 : vector<10000xf32> to vector<10000x1xf32>
    %div3A_9 = arith.constant 1.270000e+02 : f32
    %div3A_10 = vector.broadcast %div3A_9 : f32 to vector<10000x1xf32>
    %div3A_11 = arith.divf %broadcast_in_dim3A_8, %div3A_10 : vector<10000x1xf32>
    %get3A_12 = arith.constant 0 : index
    %get3A_13 = arith.constant 0 : index
    %get3A_14 = vector.load %arg4[%get3A_12, %get3A_13] : memref<1x128xf32, #tpu.memory_space<vmem>>, vector<1x128xf32>
    %mul3A_15 = vector.broadcast %get3A_14 : vector<1x128xf32> to vector<10000x128xf32>
    %mul3A_16 = arith.mulf %mul3A_15, %sub3A_5 : vector<10000x128xf32>
    %sqrt3A = math.sqrt %div3A_11 : vector<10000x1xf32>
    %add3A = arith.constant 9.99999997E-7 : f32
    %add3A_17 = vector.broadcast %add3A : f32 to vector<10000x1xf32>
    %add3A_18 = arith.addf %sqrt3A, %add3A_17 : vector<10000x1xf32>
    %div3A_19 = vector.broadcast %add3A_18 : vector<10000x1xf32> to vector<10000x128xf32>
    %div3A_20 = arith.divf %mul3A_16, %div3A_19 : vector<10000x128xf32>
    %get3A_21 = arith.constant 0 : index
    %get3A_22 = arith.constant 0 : index
    %get3A_23 = vector.load %arg5[%get3A_21, %get3A_22] : memref<1x128xf32, #tpu.memory_space<vmem>>, vector<1x128xf32>
    %add3A_24 = vector.broadcast %get3A_23 : vector<1x128xf32> to vector<10000x128xf32>
    %add3A_25 = arith.addf %div3A_20, %add3A_24 : vector<10000x128xf32>
    %get3A_26 = arith.constant 0 : index
    %get3A_27 = arith.constant 0 : index
    %get3A_28 = vector.load %arg1[%get3A_26, %get3A_27] : memref<128x16xf32, #tpu.memory_space<vmem>>, vector<128x16xf32>
    %dot_general3A = arith.constant dense<0.000000e+00> : vector<10000x16xf32>
    %dot_general3A_29 = tpu.matmul %add3A_25, %get3A_28, %dot_general3A {dimension_numbers = #tpu.dot_dimension_numbers<[1], [0], [0], [1], [0, 0, 1, 1], [], []>, transpose_lhs_hint = false} : vector<10000x128xf32>, vector<128x16xf32>, vector<10000x16xf32> -> vector<10000x16xf32>
    %get3A_30 = arith.constant 0 : index
    %get3A_31 = arith.constant 0 : index
    %get3A_32 = vector.load %arg2[%get3A_30, %get3A_31] : memref<16x8xf32, #tpu.memory_space<vmem>>, vector<16x8xf32>
    %dot_general3A_33 = arith.constant dense<0.000000e+00> : vector<10000x8xf32>
    %dot_general3A_34 = tpu.matmul %dot_general3A_29, %get3A_32, %dot_general3A_33 {dimension_numbers = #tpu.dot_dimension_numbers<[1], [0], [0], [1], [0, 0, 1, 1], [], []>, transpose_lhs_hint = false} : vector<10000x16xf32>, vector<16x8xf32>, vector<10000x8xf32> -> vector<10000x8xf32>
    %get3A_35 = arith.constant 0 : index
    %get3A_36 = arith.constant 0 : index
    %get3A_37 = vector.load %arg3[%get3A_35, %get3A_36] : memref<16x8xf32, #tpu.memory_space<vmem>>, vector<16x8xf32>
    %dot_general3A_38 = arith.constant dense<0.000000e+00> : vector<10000x8xf32>
    %dot_general3A_39 = tpu.matmul %dot_general3A_29, %get3A_37, %dot_general3A_38 {dimension_numbers = #tpu.dot_dimension_numbers<[1], [0], [0], [1], [0, 0, 1, 1], [], []>, transpose_lhs_hint = false} : vector<10000x16xf32>, vector<16x8xf32>, vector<10000x8xf32> -> vector<10000x8xf32>
    %broadcast_in_dim3A_40 = arith.constant 0.000000e+00 : f32
    %broadcast_in_dim3A_41 = vector.broadcast %broadcast_in_dim3A_40 : f32 to vector<10000x8xf32>
    %concatenate3A = tpu.concatenate %dot_general3A_29, %dot_general3A_34, %broadcast_in_dim3A_41 in 1 : vector<10000x16xf32>, vector<10000x8xf32>, vector<10000x8xf32> -> vector<10000x32xf32>
    %swap3A = arith.constant 0 : index
    %swap3A_42 = arith.constant 0 : index
    %swap3A_43 = vector.load %arg6[%swap3A, %swap3A_42] : memref<10000x32xf32, #tpu.memory_space<vmem>>, vector<10000x32xf32>
    tpu.vector_store %arg6[%swap3A, %swap3A_42], %concatenate3A {strides = array<i32>} : memref<10000x32xf32, #tpu.memory_space<vmem>>, vector<10000x32xf32>,
    %concatenate3A_44 = tpu.concatenate %dot_general3A_39, %broadcast_in_dim3A_41 in 1 : vector<10000x8xf32>, vector<10000x8xf32> -> vector<10000x16xf32>
    %swap3A_45 = arith.constant 0 : index
    %swap3A_46 = arith.constant 0 : index
    %swap3A_47 = vector.load %arg7[%swap3A_45, %swap3A_46] : memref<10000x16xf32, #tpu.memory_space<vmem>>, vector<10000x16xf32>
    tpu.vector_store %arg7[%swap3A_45, %swap3A_46], %concatenate3A_44 {strides = array<i32>} : memref<10000x16xf32, #tpu.memory_space<vmem>>, vector<10000x16xf32>,
    return
  }
}

module attributes {stable_mosaic.version = 14 : i64} {
  func.func @_finish_body(%arg0: i32, %arg1: memref<1000x128xf32, #tpu.memory_space<vmem>>, %arg2: memref<2x1000x144xf32, #tpu.memory_space<vmem>>, %arg3: memref<1000x32xf32, #tpu.memory_space<vmem>>, %arg4: memref<1000x16xf32, #tpu.memory_space<vmem>>, %arg5: memref<1x128xf32, #tpu.memory_space<vmem>>, %arg6: memref<1x128xf32, #tpu.memory_space<vmem>>, %arg7: memref<1x128xf32, #tpu.memory_space<vmem>>, %arg8: memref<128x512xf32, #tpu.memory_space<vmem>>, %arg9: memref<1x512xf32, #tpu.memory_space<vmem>>, %arg10: memref<512x128xf32, #tpu.memory_space<vmem>>, %arg11: memref<1x128xf32, #tpu.memory_space<vmem>>, %arg12: memref<8x128xf32, #tpu.memory_space<vmem>>, %arg13: memref<16x128xf32, #tpu.memory_space<vmem>>, %arg14: memref<1000x128xf32, #tpu.memory_space<vmem>>) attributes {dimension_semantics = [#tpu.dimension_semantics<arbitrary>], iteration_bounds = array<i64: 10>, scalar_prefetch = 0 : i64, scratch_operands = 0 : i64, tpu.core_type = #tpu.core_type<tc>, window_params = [{transform_indices = @transform_0, window_bounds = array<i64: 1000, 128>}, {transform_indices = @transform_1, window_bounds = array<i64: 2, 1000, 144>}, {transform_indices = @transform_2, window_bounds = array<i64: 1000, 32>}, {transform_indices = @transform_3, window_bounds = array<i64: 1000, 16>}, {pipeline_mode = #tpu.pipeline_mode<synchronous>, transform_indices = @transform_4, window_bounds = array<i64: 1, 128>}, {pipeline_mode = #tpu.pipeline_mode<synchronous>, transform_indices = @transform_5, window_bounds = array<i64: 1, 128>}, {pipeline_mode = #tpu.pipeline_mode<synchronous>, transform_indices = @transform_6, window_bounds = array<i64: 1, 128>}, {pipeline_mode = #tpu.pipeline_mode<synchronous>, transform_indices = @transform_7, window_bounds = array<i64: 128, 512>}, {pipeline_mode = #tpu.pipeline_mode<synchronous>, transform_indices = @transform_8, window_bounds = array<i64: 1, 512>}, {pipeline_mode = #tpu.pipeline_mode<synchronous>, transform_indices = @transform_9, window_bounds = array<i64: 512, 128>}, {pipeline_mode = #tpu.pipeline_mode<synchronous>, transform_indices = @transform_10, window_bounds = array<i64: 1, 128>}, {pipeline_mode = #tpu.pipeline_mode<synchronous>, transform_indices = @transform_11, window_bounds = array<i64: 8, 128>}, {pipeline_mode = #tpu.pipeline_mode<synchronous>, transform_indices = @transform_12, window_bounds = array<i64: 16, 128>}, {transform_indices = @transform_13, window_bounds = array<i64: 1000, 128>}]} {
    %get3A = arith.constant 0 : index
    %get3A_0 = arith.constant 0 : index
    %get3A_1 = vector.load %arg1[%get3A, %get3A_0] : memref<1000x128xf32, #tpu.memory_space<vmem>>, vector<1000x128xf32>
    %get3A_2 = arith.constant 0 : index
    %get3A_3 = arith.constant 0 : index
    %get3A_4 = arith.constant 0 : index
    %get3A_5 = vector.load %arg2[%get3A_2, %get3A_3, %get3A_4] : memref<2x1000x144xf32, #tpu.memory_space<vmem>>, vector<1x1000x144xf32>
    %get3A_6 = vector.shape_cast %get3A_5 : vector<1x1000x144xf32> to vector<1000x144xf32>
    %get3A_7 = arith.constant 1 : index
    %get3A_8 = arith.constant 0 : index
    %get3A_9 = arith.constant 0 : index
    %get3A_10 = vector.load %arg2[%get3A_7, %get3A_8, %get3A_9] : memref<2x1000x144xf32, #tpu.memory_space<vmem>>, vector<1x1000x144xf32>
    %get3A_11 = vector.shape_cast %get3A_10 : vector<1x1000x144xf32> to vector<1000x144xf32>
    %get3A_12 = arith.constant 0 : index
    %get3A_13 = arith.constant 0 : index
    %get3A_14 = vector.load %arg3[%get3A_12, %get3A_13] : memref<1000x32xf32, #tpu.memory_space<vmem>>, vector<1000x16xf32>
    %get3A_15 = arith.constant 0 : index
    %get3A_16 = arith.constant 16 : index
    %get3A_17 = vector.load %arg3[%get3A_15, %get3A_16] : memref<1000x32xf32, #tpu.memory_space<vmem>>, vector<1000x8xf32>
    %get3A_18 = arith.constant 0 : index
    %get3A_19 = arith.constant 0 : index
    %get3A_20 = vector.load %arg4[%get3A_18, %get3A_19] : memref<1000x16xf32, #tpu.memory_space<vmem>>, vector<1000x8xf32>
    %add3A = arith.addf %get3A_17, %get3A_20 : vector<1000x8xf32>
    %mul3A = arith.constant 2.000000e-01 : f32
    %mul3A_21 = vector.broadcast %mul3A : f32 to vector<1000x8xf32>
    %mul3A_22 = arith.mulf %add3A, %mul3A_21 : vector<1000x8xf32>
    %max3A = arith.maximumf %add3A, %mul3A_22 : vector<1000x8xf32>
    %exp3A = math.exp %max3A : vector<1000x8xf32>
    %slice3A = vector.extract_strided_slice %get3A_6 {offsets = [0, 128], sizes = [1000, 8], strides = [1, 1]} : vector<1000x144xf32> to vector<1000x8xf32>
    %slice3A_23 = vector.extract_strided_slice %get3A_11 {offsets = [0, 128], sizes = [1000, 8], strides = [1, 1]} : vector<1000x144xf32> to vector<1000x8xf32>
    %add3A_24 = arith.addf %slice3A, %slice3A_23 : vector<1000x8xf32>
    %add3A_25 = arith.addf %add3A_24, %exp3A : vector<1000x8xf32>
    %get3A_26 = arith.constant 0 : index
    %get3A_27 = arith.constant 0 : index
    %get3A_28 = vector.load %arg12[%get3A_26, %get3A_27] : memref<8x128xf32, #tpu.memory_space<vmem>>, vector<8x128xf32>
    %dot_general3A = arith.constant dense<0.000000e+00> : vector<1000x128xf32>
    %dot_general3A_29 = tpu.matmul %exp3A, %get3A_28, %dot_general3A {dimension_numbers = #tpu.dot_dimension_numbers<[1], [0], [0], [1], [0, 0, 1, 1], [], []>, transpose_lhs_hint = false} : vector<1000x8xf32>, vector<8x128xf32>, vector<1000x128xf32> -> vector<1000x128xf32>
    %get3A_30 = arith.constant 0 : index
    %get3A_31 = arith.constant 0 : index
    %get3A_32 = vector.load %arg13[%get3A_30, %get3A_31] : memref<16x128xf32, #tpu.memory_space<vmem>>, vector<16x128xf32>
    %dot_general3A_33 = arith.constant dense<0.000000e+00> : vector<1000x128xf32>
    %dot_general3A_34 = tpu.matmul %get3A_14, %get3A_32, %dot_general3A_33 {dimension_numbers = #tpu.dot_dimension_numbers<[1], [0], [0], [1], [0, 0, 1, 1], [], []>, transpose_lhs_hint = false} : vector<1000x16xf32>, vector<16x128xf32>, vector<1000x128xf32> -> vector<1000x128xf32>
    %add3A_35 = arith.constant 1.000000e-16 : f32
    %add3A_36 = vector.broadcast %add3A_35 : f32 to vector<1000x8xf32>
    %add3A_37 = arith.addf %add3A_25, %add3A_36 : vector<1000x8xf32>
    %div3A = arith.constant 1.000000e+00 : f32
    %div3A_38 = vector.broadcast %div3A : f32 to vector<1000x8xf32>
    %div3A_39 = arith.divf %div3A_38, %add3A_37 : vector<1000x8xf32>
    %get3A_40 = arith.constant 0 : index
    %get3A_41 = arith.constant 0 : index
    %get3A_42 = vector.load %arg12[%get3A_40, %get3A_41] : memref<8x128xf32, #tpu.memory_space<vmem>>, vector<8x128xf32>
    %dot_general3A_43 = arith.constant dense<0.000000e+00> : vector<1000x128xf32>
    %dot_general3A_44 = tpu.matmul %div3A_39, %get3A_42, %dot_general3A_43 {dimension_numbers = #tpu.dot_dimension_numbers<[1], [0], [0], [1], [0, 0, 1, 1], [], []>, transpose_lhs_hint = false} : vector<1000x8xf32>, vector<8x128xf32>, vector<1000x128xf32> -> vector<1000x128xf32>
    %slice3A_45 = vector.extract_strided_slice %get3A_6 {offsets = [0, 0], sizes = [1000, 128], strides = [1, 1]} : vector<1000x144xf32> to vector<1000x128xf32>
    %slice3A_46 = vector.extract_strided_slice %get3A_11 {offsets = [0, 0], sizes = [1000, 128], strides = [1, 1]} : vector<1000x144xf32> to vector<1000x128xf32>
    %add3A_47 = arith.addf %slice3A_45, %slice3A_46 : vector<1000x128xf32>
    %mul3A_48 = arith.mulf %dot_general3A_29, %dot_general3A_34 : vector<1000x128xf32>
    %add3A_49 = arith.addf %add3A_47, %mul3A_48 : vector<1000x128xf32>
    %mul3A_50 = arith.mulf %add3A_49, %dot_general3A_44 : vector<1000x128xf32>
    %get3A_51 = arith.constant 0 : index
    %get3A_52 = arith.constant 0 : index
    %get3A_53 = vector.load %arg5[%get3A_51, %get3A_52] : memref<1x128xf32, #tpu.memory_space<vmem>>, vector<1x128xf32>
    %add3A_54 = vector.broadcast %get3A_53 : vector<1x128xf32> to vector<1000x128xf32>
    %add3A_55 = arith.addf %mul3A_50, %add3A_54 : vector<1000x128xf32>
    %add3A_56 = arith.addf %get3A_1, %add3A_55 : vector<1000x128xf32>
    %reduce_sum3A = arith.constant dense<0.000000e+00> : vector<1000xf32>
    %reduce_sum3A_57 = vector.multi_reduction <add>, %add3A_56, %reduce_sum3A [1] : vector<1000x128xf32> to vector<1000xf32>
    %broadcast_in_dim3A = vector.shape_cast %reduce_sum3A_57 : vector<1000xf32> to vector<1000x1xf32>
    %div3A_58 = arith.constant 1.280000e+02 : f32
    %div3A_59 = vector.broadcast %div3A_58 : f32 to vector<1000x1xf32>
    %div3A_60 = arith.divf %broadcast_in_dim3A, %div3A_59 : vector<1000x1xf32>
    %sub3A = vector.broadcast %div3A_60 : vector<1000x1xf32> to vector<1000x128xf32>
    %sub3A_61 = arith.subf %add3A_56, %sub3A : vector<1000x128xf32>
    %mul3A_62 = arith.mulf %sub3A_61, %sub3A_61 : vector<1000x128xf32>
    %reduce_sum3A_63 = arith.constant dense<0.000000e+00> : vector<1000xf32>
    %reduce_sum3A_64 = vector.multi_reduction <add>, %mul3A_62, %reduce_sum3A_63 [1] : vector<1000x128xf32> to vector<1000xf32>
    %broadcast_in_dim3A_65 = vector.shape_cast %reduce_sum3A_64 : vector<1000xf32> to vector<1000x1xf32>
    %div3A_66 = arith.constant 1.270000e+02 : f32
    %div3A_67 = vector.broadcast %div3A_66 : f32 to vector<1000x1xf32>
    %div3A_68 = arith.divf %broadcast_in_dim3A_65, %div3A_67 : vector<1000x1xf32>
    %get3A_69 = arith.constant 0 : index
    %get3A_70 = arith.constant 0 : index
    %get3A_71 = vector.load %arg6[%get3A_69, %get3A_70] : memref<1x128xf32, #tpu.memory_space<vmem>>, vector<1x128xf32>
    %mul3A_72 = vector.broadcast %get3A_71 : vector<1x128xf32> to vector<1000x128xf32>
    %mul3A_73 = arith.mulf %mul3A_72, %sub3A_61 : vector<1000x128xf32>
    %sqrt3A = math.sqrt %div3A_68 : vector<1000x1xf32>
    %add3A_74 = arith.constant 9.99999997E-7 : f32
    %add3A_75 = vector.broadcast %add3A_74 : f32 to vector<1000x1xf32>
    %add3A_76 = arith.addf %sqrt3A, %add3A_75 : vector<1000x1xf32>
    %div3A_77 = vector.broadcast %add3A_76 : vector<1000x1xf32> to vector<1000x128xf32>
    %div3A_78 = arith.divf %mul3A_73, %div3A_77 : vector<1000x128xf32>
    %get3A_79 = arith.constant 0 : index
    %get3A_80 = arith.constant 0 : index
    %get3A_81 = vector.load %arg7[%get3A_79, %get3A_80] : memref<1x128xf32, #tpu.memory_space<vmem>>, vector<1x128xf32>
    %add3A_82 = vector.broadcast %get3A_81 : vector<1x128xf32> to vector<1000x128xf32>
    %add3A_83 = arith.addf %div3A_78, %add3A_82 : vector<1000x128xf32>
    %get3A_84 = arith.constant 0 : index
    %get3A_85 = arith.constant 0 : index
    %get3A_86 = vector.load %arg8[%get3A_84, %get3A_85] : memref<128x512xf32, #tpu.memory_space<vmem>>, vector<128x512xf32>
    %dot_general3A_87 = arith.constant dense<0.000000e+00> : vector<1000x512xf32>
    %dot_general3A_88 = tpu.matmul %add3A_83, %get3A_86, %dot_general3A_87 {dimension_numbers = #tpu.dot_dimension_numbers<[1], [0], [0], [1], [0, 0, 1, 1], [], []>, transpose_lhs_hint = false} : vector<1000x128xf32>, vector<128x512xf32>, vector<1000x512xf32> -> vector<1000x512xf32>
    %get3A_89 = arith.constant 0 : index
    %get3A_90 = arith.constant 0 : index
    %get3A_91 = vector.load %arg9[%get3A_89, %get3A_90] : memref<1x512xf32, #tpu.memory_space<vmem>>, vector<1x512xf32>
    %add3A_92 = vector.broadcast %get3A_91 : vector<1x512xf32> to vector<1000x512xf32>
    %add3A_93 = arith.addf %dot_general3A_88, %add3A_92 : vector<1000x512xf32>
    %max3A_94 = arith.constant 0.000000e+00 : f32
    %max3A_95 = vector.broadcast %max3A_94 : f32 to vector<1000x512xf32>
    %max3A_96 = arith.maximumf %add3A_93, %max3A_95 : vector<1000x512xf32>
    %get3A_97 = arith.constant 0 : index
    %get3A_98 = arith.constant 0 : index
    %get3A_99 = vector.load %arg10[%get3A_97, %get3A_98] : memref<512x128xf32, #tpu.memory_space<vmem>>, vector<512x128xf32>
    %dot_general3A_100 = arith.constant dense<0.000000e+00> : vector<1000x128xf32>
    %dot_general3A_101 = tpu.matmul %max3A_96, %get3A_99, %dot_general3A_100 {dimension_numbers = #tpu.dot_dimension_numbers<[1], [0], [0], [1], [0, 0, 1, 1], [], []>, transpose_lhs_hint = false} : vector<1000x512xf32>, vector<512x128xf32>, vector<1000x128xf32> -> vector<1000x128xf32>
    %get3A_102 = arith.constant 0 : index
    %get3A_103 = arith.constant 0 : index
    %get3A_104 = vector.load %arg11[%get3A_102, %get3A_103] : memref<1x128xf32, #tpu.memory_space<vmem>>, vector<1x128xf32>
    %add3A_105 = vector.broadcast %get3A_104 : vector<1x128xf32> to vector<1000x128xf32>
    %add3A_106 = arith.addf %dot_general3A_101, %add3A_105 : vector<1000x128xf32>
    %add3A_107 = arith.addf %add3A_56, %add3A_106 : vector<1000x128xf32>
    %swap3A = arith.constant 0 : index
    %swap3A_108 = arith.constant 0 : index
    %swap3A_109 = vector.load %arg14[%swap3A, %swap3A_108] : memref<1000x128xf32, #tpu.memory_space<vmem>>, vector<1000x128xf32>
    tpu.vector_store %arg14[%swap3A, %swap3A_108], %add3A_107 {strides = array<i32>} : memref<1000x128xf32, #tpu.memory_space<vmem>>, vector<1000x128xf32>,
    return
  }
  func.func @transform_0(%arg0: i32) -> (i32, i32) {
    %c0_i32 = arith.constant 0 : i32
    %c0_i32_0 = arith.constant 0 : i32
    return %arg0, %c0_i32 : i32, i32
  }
  func.func @transform_1(%arg0: i32) -> (i32, i32, i32) {
    %c0_i32 = arith.constant 0 : i32
    %c0_i32_0 = arith.constant 0 : i32
    %c0_i32_1 = arith.constant 0 : i32
    return %c0_i32, %arg0, %c0_i32_0 : i32, i32, i32
  }
  func.func @transform_2(%arg0: i32) -> (i32, i32) {
    %c0_i32 = arith.constant 0 : i32
    %c0_i32_0 = arith.constant 0 : i32
    return %arg0, %c0_i32 : i32, i32
  }
  func.func @transform_3(%arg0: i32) -> (i32, i32) {
    %c0_i32 = arith.constant 0 : i32
    %c0_i32_0 = arith.constant 0 : i32
    return %arg0, %c0_i32 : i32, i32
  }
  func.func @transform_4(%arg0: i32) -> (i32, i32) {
    %c0_i32 = arith.constant 0 : i32
    %c0_i32_0 = arith.constant 0 : i32
    %c0_i32_1 = arith.constant 0 : i32
    return %c0_i32, %c0_i32_0 : i32, i32
  }
  func.func @transform_5(%arg0: i32) -> (i32, i32) {
    %c0_i32 = arith.constant 0 : i32
    %c0_i32_0 = arith.constant 0 : i32
    %c0_i32_1 = arith.constant 0 : i32
    return %c0_i32, %c0_i32_0 : i32, i32
  }
  func.func @transform_6(%arg0: i32) -> (i32, i32) {
    %c0_i32 = arith.constant 0 : i32
    %c0_i32_0 = arith.constant 0 : i32
    %c0_i32_1 = arith.constant 0 : i32
    return %c0_i32, %c0_i32_0 : i32, i32
  }
  func.func @transform_7(%arg0: i32) -> (i32, i32) {
    %c0_i32 = arith.constant 0 : i32
    %c0_i32_0 = arith.constant 0 : i32
    %c0_i32_1 = arith.constant 0 : i32
    return %c0_i32, %c0_i32_0 : i32, i32
  }
  func.func @transform_8(%arg0: i32) -> (i32, i32) {
    %c0_i32 = arith.constant 0 : i32
    %c0_i32_0 = arith.constant 0 : i32
    %c0_i32_1 = arith.constant 0 : i32
    return %c0_i32, %c0_i32_0 : i32, i32
  }
  func.func @transform_9(%arg0: i32) -> (i32, i32) {
    %c0_i32 = arith.constant 0 : i32
    %c0_i32_0 = arith.constant 0 : i32
    %c0_i32_1 = arith.constant 0 : i32
    return %c0_i32, %c0_i32_0 : i32, i32
  }
  func.func @transform_10(%arg0: i32) -> (i32, i32) {
    %c0_i32 = arith.constant 0 : i32
    %c0_i32_0 = arith.constant 0 : i32
    %c0_i32_1 = arith.constant 0 : i32
    return %c0_i32, %c0_i32_0 : i32, i32
  }
  func.func @transform_11(%arg0: i32) -> (i32, i32) {
    %c0_i32 = arith.constant 0 : i32
    %c0_i32_0 = arith.constant 0 : i32
    %c0_i32_1 = arith.constant 0 : i32
    return %c0_i32, %c0_i32_0 : i32, i32
  }
  func.func @transform_12(%arg0: i32) -> (i32, i32) {
    %c0_i32 = arith.constant 0 : i32
    %c0_i32_0 = arith.constant 0 : i32
    %c0_i32_1 = arith.constant 0 : i32
    return %c0_i32, %c0_i32_0 : i32, i32
  }
  func.func @transform_13(%arg0: i32) -> (i32, i32) {
    %c0_i32 = arith.constant 0 : i32
    %c0_i32_0 = arith.constant 0 : i32
    return %arg0, %c0_i32 : i32, i32
  }
}

</mosaic_0001>

<sc_bundles>
// kernel: kernel.5.cloned.1.call-start
scs
__scs_entry_jumppad:
0x0: {  	(pc) =	sbr.rel $0x88, $3  }
0x1: {  	(tag) =	ssettag $0x0;
	lr =	simm.s32 $0x1  }
0x2: {  	[smem:$0x3F93] =	sst lr;
	_ =	strace $0xD0000000  }
0x3: {  	_ = 	snop  }
0x4: {  	_ = 	snop  }
0x5: {  	_ = 	snop  }
0x6: {  	_ = 	snop  }
0x7: {  	_ = 	snop  }
__scs_overlays_trampoline_lowered:
0x8: {  	[smem:$0x3FA2] =	sst s0  }
0x9: {  	[smem:$0x3FA3] =	sst s1  }
0xa: {  	[smem:$0x3FA4] =	sst s2  }
0xb: {  	[smem:$0x3FA5] =	sst s3  }
0xc: {  	[smem:$0x3FA6] =	sst s4  }
0xd: {  	[smem:$0x3FA7] =	sst s5  }
0xe: {  	[smem:$0x3FA8] =	sst s6  }
0xf: {  	[smem:$0x3FA9] =	sst s7  }
0x10: {  	[smem:$0x3FAA] =	sst s8  }
0x11: {  	[smem:$0x3FAB] =	sst s9;
	s0 =	simm.s32 @!p0 $0x0  }
0x12: {  	s1 =	sld [smem:$0x3F91];
	s0 =	simm.s32 @p0 $0x1  }
0x13: {  	[smem:$0x3FAC] =	sst s0;
	s0 =	simm.s32 @!p1 $0x0  }
0x14: {  	s2 =	sld [smem:$0x3F90];
	s0 =	simm.s32 @p1 $0x1  }
0x15: {  	[smem:$0x3FAD] =	sst s0;
	s0 =	simm.s32 @!p2 $0x0  }
0x16: {  	s3 =	sld [smem:$0x3FDB];
	s0 =	simm.s32 @p2 $0x1  }
0x17: {  	s4 =	simm.s32 $0x1BF5;
	[smem:$0x3FAF] =	sst s0  }
0x18: {  	s0 =	sld [smem:$0x3F92];
	_ =	swait.ge [sflag:s4], $0x0  }
0x19: {  	s7 =	sld [smem:$0x3F93]  }
0x1a: {  	s8 =	sadd.s32 $0xFFFFE003, lr  }
0x1b: {  	s9 =	sadd.s32 $0xFFFFFEF7, lr;
	s5 =	simm.s32 $0xFFFFFFFF;
	p2 =	slt.u32 s8, $0xFFFFF086  }
0x1c: {  	p1 =	slt.u32 s9, $0xF7A;
	s5 =	simm.s32 @!p2 $0x0  }
0x1d: {  	s5 =	simm.s32 @p1 $0x1;
	p0 =	seq.s32 s7, s2  }
0x1e: {  	s7 =	smul.u32 @!p0 $0xF7A, s2;
	p2 =	seq.s32 @!p0 s5, $0x0  }
0x1f: {  	s9 =	smul.u32 $0xF7A, s1;
	s8 =	simm.s32 @!p0 $0x1BF5;
	p2 =	por !p2, p0  }
0x20: {  	[sflag:s8] =	ssyncset.s32 @!p0 $0xFFFFF086;
	s6 =	sadd.s32 @!p0 s3, s7;
	s7 =	simm.s32 @!p0 $0x108  }
0x21: {  	s3 =	sadd.s32 s3, s9;
	s6 =	sadd.s32 @!p0 $0x88, s6;
	s7 =	simm.s32 @p2 $0x1082  }
0x22: {  	[simem:s7], [sflag:s8] =	dma.local @!p0 [hbm:s6], $0xF7A  }
0x23: {  	s9 =	sor.u32 $0xD0000000, s2;
	s6 =	simm.s32 $0x108;
	_ =	swait.ge @!p0 [sflag:s8], $0x0  }
0x24: {  	s3 =	sadd.s32 $0x88, s3;
	s6 =	simm.s32 @!p1 $0x1082;
	[sflag:s4] =	ssyncset.s32 $0xFFFFF086  }
0x25: {  	[simem:s6], [sflag:s4] =	dma.local [hbm:s3], $0xF7A  }
0x26: {  	[smem:$0x3F93] =	sst s1;
	(tag) =	ssettag s2;
	_ =	strace s9  }
0x27: {  	s1 =	sld [smem:$0x3FA3]  }
0x28: {  	s2 =	sld [smem:$0x3FA4]  }
0x29: {  	s4 =	sld [smem:$0x3FA6]  }
0x2a: {  	p0 =	seq.s32 s5, $0x0;
	s5 =	sld [smem:$0x3FA7]  }
0x2b: {  	s6 =	sld [smem:$0x3FA8]  }
0x2c: {  	s7 =	sld [smem:$0x3FA9]  }
0x2d: {  	s3 =	simm.s32 $0x108;
	s8 =	sld [smem:$0x3FAA]  }
0x2e: {  	s3 =	simm.s32 @!p0 $0x1082;
	s9 =	sld [smem:$0x3FAB]  }
0x2f: {  	lr =	sadd.s32 s0, s3;
	s0 =	sld [smem:$0x3FA2]  }
0x30: {  	s3 =	sld [smem:$0x3FA5]  }
0x31: {  	[smem:$0x3FAE] =	sst s10  }
0x32: {  	s10 =	sld [smem:$0x3FAC];
	_ =	sdelay $0x3  }
0x33: {  	p0 =	seq.s32 s10, $0x1;
	s10 =	sld [smem:$0x3FAE];
	_ =	sdelay $0x3  }
0x34: {  	[smem:$0x3FAE] =	sst s10  }
0x35: {  	s10 =	sld [smem:$0x3FAD];
	_ =	sdelay $0x3  }
0x36: {  	p1 =	seq.s32 s10, $0x1;
	s10 =	sld [smem:$0x3FAE];
	_ =	sdelay $0x3  }
0x37: {  	[smem:$0x3FAE] =	sst s10  }
0x38: {  	s10 =	sld [smem:$0x3FAF]  }
0x39: {  	_ = 	snop;
	(pc) =	sbr.ind lr, $3  }
0x3a: {  	_ = 	snop  }
0x3b: {  	_ = 	snop  }
0x3c: {  	p2 =	seq.s32 s10, $0x1;
	s10 =	sld [smem:$0x3FAE]  }
0x3d: {  	_ =	shalt  }
0x3e: {  	_ =	shalt  }
0x3f: {  	_ =	shalt  }
0x40: {  	_ =	shalt  }
0x41: {  	_ =	shalt  }
0x42: {  	_ =	shalt  }
0x43: {  	_ =	shalt  }
0x44: {  	_ =	shalt  }
0x45: {  	_ =	shalt  }
0x46: {  	_ =	shalt  }
0x47: {  	_ =	shalt  }
0x48: {  	_ =	shalt  }
0x49: {  	_ =	shalt  }
0x4a: {  	_ =	shalt  }
0x4b: {  	_ =	shalt  }
0x4c: {  	_ =	shalt  }
0x4d: {  	_ =	shalt  }
0x4e: {  	_ =	shalt  }
0x4f: {  	_ =	shalt  }
0x50: {  	_ =	shalt  }
0x51: {  	_ =	shalt  }
0x52: {  	_ =	shalt  }
0x53: {  	_ =	shalt  }
0x54: {  	_ =	shalt  }
0x55: {  	_ =	shalt  }
0x56: {  	_ =	shalt  }
0x57: {  	_ =	shalt  }
0x58: {  	_ =	shalt  }
0x59: {  	_ =	shalt  }
0x5a: {  	_ =	shalt  }
0x5b: {  	_ =	shalt  }
0x5c: {  	_ =	shalt  }
0x5d: {  	_ =	shalt  }
0x5e: {  	_ =	shalt  }
0x5f: {  	_ =	shalt  }
0x60: {  	_ =	shalt  }
0x61: {  	_ =	shalt  }
0x62: {  	_ =	shalt  }
0x63: {  	_ =	shalt  }
0x64: {  	_ =	shalt  }
0x65: {  	_ =	shalt  }
0x66: {  	_ =	shalt  }
0x67: {  	_ =	shalt  }
0x68: {  	_ =	shalt  }
0x69: {  	_ =	shalt  }
0x6a: {  	_ =	shalt  }
0x6b: {  	_ =	shalt  }
0x6c: {  	_ =	shalt  }
0x6d: {  	_ =	shalt  }
0x6e: {  	_ =	shalt  }
0x6f: {  	_ =	shalt  }
0x70: {  	_ =	shalt  }
0x71: {  	_ =	shalt  }
0x72: {  	_ =	shalt  }
0x73: {  	_ =	shalt  }
0x74: {  	_ =	shalt  }
0x75: {  	_ =	shalt  }
0x76: {  	_ =	shalt  }
0x77: {  	_ =	shalt  }
0x78: {  	_ =	shalt  }
0x79: {  	_ =	shalt  }
0x7a: {  	_ =	shalt  }
0x7b: {  	_ =	shalt  }
0x7c: {  	_ =	shalt  }
0x7d: {  	_ =	shalt  }
0x7e: {  	_ =	shalt  }
0x7f: {  	_ =	shalt  }
0x80: {  	_ =	shalt  }
0x81: {  	_ =	shalt  }
0x82: {  	_ =	shalt  }
0x83: {  	_ =	shalt  }
0x84: {  	_ =	shalt  }
0x85: {  	_ =	shalt  }
0x86: {  	_ =	shalt  }
0x87: {  	_ =	shalt  }
.Lfunc_end0:
.L_simem_size_0:
called_computation_lowered:
.L_overlay_start_0:
0x88: {  	s2 =	sld [smem:$0x3FD9]  }
0x89: {  	s3 =	sld [smem:$0x3FFE];
	_ =	sdelay $0x1  }
0x8a: {  	s1 =	srdreg.scid  }
0x8b: {  	s0 =	sand.u32 $0x1, s1  }
0x8c: {  	s17 =	sshll.u32 s0, $0xA;
	s2 =	sadd.s32 s3, s2  }
0x8d: {  	s2 =	sadd.s32 s2, s17  }
0x8e: {  	[smem:$0x3FBA] =	sst s2  }
0x8f: {  	_ = 	snop  }
0x90: {  	s2 =	sld [smem:$0x3FD0];
	(tm) =	ssettm $0x1  }
0x91: {  	s18 =	sld [smem:$0x3FFB];
	_ =	sdelay $0x3  }
0x92: {  	_ =	strace s18  }
0x93: {  	s3 =	sld [smem:$0x3FFC];
	_ =	sdelay $0x3  }
0x94: {  	_ =	strace s3  }
0x95: {  	s3 =	sld [smem:$0x3FFD];
	_ =	sdelay $0x3  }
0x96: {  	_ =	strace s3  }
0x97: {  	_ =	strace $0x8FFFFFFF  }
0x98: {  	s19 =	sld [smem:$0x3FDB];
	_ =	sdelay $0x1  }
0x99: {  	s4 =	simm.s32 $_scs_section_size  }
0x9a: {  	s5 =	simm.s32 $_size__tile_overlayer_lowered;
	s6 =	simm.s32 $_tile_overlayer_lowered  }
0x9b: {  	s22 =	simm.s32 $0x1BFF;
	s21 =	sshll.u32 s6, $0x1;
	s3 =	sadd.s32 s4, s19  }
0x9c: {  	s7 =	simm.s32 $0x0;
	s20 =	sshll.u32 s5, $0x1;
	s5 =	sadd.s32 s21, s3  }
0x9d: {  	[timem:s7], [sflag:s22] =	dma.local [hbm:s5], s20  }
0x9e: {  	_ =	swait.ge [sflag:s22], s20  }
0x9f: {  	s4 =	ssub.s32 $0x0, s20;
	[sflag:s22] =	ssyncset.done $0x0  }
0xa0: {  	[sflag:s22] =	ssyncadd.s32 s4;
	_ =	sdelay $0x1  }
0xa1: {  	s23 =	simm.s32 $0x1B8B  }
0xa2: {  	_ =	swait.ge [sflag:s23], $0x1  }
0xa3: {  	[sflag:s23] =	ssyncset.done $0x0  }
0xa4: {  	s25 =	simm.s32 $0x1B8E;
	s24 =	sld [smem:$0x3FFE];
	[sflag:s23] =	ssyncadd.s32 $0xFFFFFFFF  }
0xa5: {  	s26 =	simm.s32 $execute0_lowered;
	[smem:$0x3FD2] =	sst s25  }
0xa6: {  	s5 =	sshll.u32 s26, $0x1;
	_ =	strace $0x80000046;
	[dreg:$0x1] =	wrdreg $0xFFFFFFFF  }
0xa7: {  	s28 =	simm.s32 $_size_execute0_lowered;
	s3 =	sadd.s32 s3, s5;
	[dreg:$0x0] =	wrdreg $0x0  }
0xa8: {  	s5 =	sshll.u32 s28, $0x1;
	[dreg:$0x2] =	wrdreg s3  }
0xa9: {  	[dreg:$0x3] =	wrdreg s5  }
0xaa: {  	[dreg:$0x4] =	wrdreg $0xC0  }
0xab: {  	_ =	task [dreg:s7], $0x5FFFF  }
0xac: {  	[dreg:$0x1] =	wrdreg $0xFFFFFFFF  }
0xad: {  	[dreg:$0x0] =	wrdreg $0x60  }
0xae: {  	[dreg:$0x2] =	wrdreg s2  }
0xaf: {  	[dreg:$0x3] =	wrdreg s24  }
0xb0: {  	[dreg:$0x4] =	wrdreg $0x8A200  }
0xb1: {  	[dreg:$0x5] =	wrdreg $0x9  }
0xb2: {  	_ =	task.clear_ibuf [dreg:s7], $0x6FFFF;
	_ =	strace $0x90000046  }
0xb3: {  	s29 =	simm.s32 $0x9;
	_ =	strace $0x80000048  }
0xb4: {  	_ =	swait.ge [sflag:s29], $0x1  }
0xb5: {  	[sflag:s29] =	ssyncadd.s32 $0xFFFFFFFF  }
0xb6: {  	_ =	strace $0x90000048  }
0xb7: {  	_ =	sfence  }
0xb8: {  	s30 =	sld [smem:$0x0];
	_ =	sdelay $0x2  }
0xb9: {  	s31 =	sshll.u32 s1, $0xD;
	s1 =	sshrl.u32 s1, $0x2  }
0xba: {  	s3 =	sand.u32 $0x4000, s31;
	s1 =	sadd.s32 s1, s30  }
0xbb: {  	s0 =	sor.u32 s3, s0;
	s1 =	sshll.u32 s1, $0x11  }
0xbc: {  	s0 =	sor.u32 s1, s0  }
0xbd: {  	s0 =	sadd.s32 $0x8F2B, s0  }
0xbe: {  	[sflag:s0] =	ssyncadd.remote.s32 $0x1  }
0xbf: {  	_ =	sfence.sel $0xFFFF  }
0xc0: {  	[dreg:$0x0] =	wrdreg $0xFFFFFFFF;
	(pc) =	sbr.abs _section_cstart, $3  }
0xc1: {  	[dreg:$0x1] =	wrdreg $0xFFFFFFFF  }
0xc2: {  	_ =	task.clear_ibuf [dreg:s7], $0x2FFFF;
	_ =	strace $0x9FFFFFFF  }
0xc3: {  	(tm) =	ssettm $0x7FFFFFFF  }
tec
execute0_lowered:
.L_overlay_start_1:
0x0: {  	(tag) =	ssettag $0x1  }
0x1: {  	s0 =	rddreg [dreg:$0x0]  }
0x2: {  	s1 =	srdreg.scid;
	s6 =	rddreg [dreg:$0x1]  }
0x3: {  	s2 =	rddreg [dreg:$0x2];
	s11 =	stileid.u32;
	s3 =	simm.s32 $0x0  }
0x4: {  	s29 =	simm.s32 $0x2710;
	s1 =	sand.u32 $0x1, s1;
	[smem:$0x7FF] =	sst s3  }
0x5: {  	s8 =	smul.u32 $0x57E40, s11;
	s5 =	sadd.s32 $0x1E00, s6;
	s4 =	sshll.u32 s1, $0x4  }
0x6: {  	_ =	strace $0x80000047;
	s9 =	ssub.s32 $0x2, s1;
	s1 =	smul.u32 $0x15F900, s1  }
0x7: {  	s4 =	sor.u32 s11, s4;
	s10 =	sshrl.u32 s9, $0x1;
	s11 =	smul.u32 $0x15F90, s11  }
0x8: {  	s16 =	sshrl.u32 s8, $0x2;
	s7 =	smul.u32 $0x2710, s4;
	s4 =	sadd.s32 $0x6E00, s6  }
0x9: {  	s6 =	sadd.s32 $0x10C00, s6;
	s9 =	ssub.s32 s9, s10;
	s8 =	sadd.s32 s16, s2  }
0xa: {  	s17 =	sadd.s32 s1, s11;
	s20 =	sadd.s32 $0x15180, s8;
	s21 =	sadd.s32 $0x4650, s11  }
0xb: {  	s22 =	smax.u32 s9, $0x1;
	s23 =	sadd.s32 $0x1680, s8;
	[dreg:$0x6] =	wrdreg s20  }
0xc: {  	s25 =	sadd.s32 $0x2D00, s8;
	s26 =	sadd.s32 $0x4380, s8;
	[dreg:$0x8] =	wrdreg s22  }
0xd: {  	s28 =	sadd.s32 $0x5A00, s8;
	s10 =	sadd.s32 $0x8CA0, s11;
	[dreg:$0x9] =	wrdreg s23  }
0xe: {  	s12 =	sadd.s32 $0x11940, s11;
	s30 =	sadd.s32 $0xCA80, s8;
	[dreg:$0xa] =	wrdreg s25  }
0xf: {  	s31 =	sadd.s32 $0xE100, s8;
	s7 =	sshrl.u32 s7, $0x3;
	[dreg:$0xb] =	wrdreg s26  }
0x10: {  	s19 =	sshrl.u32 s17, $0x3;
	s24 =	sadd.s32 s1, s21;
	[dreg:$0xc] =	wrdreg s28  }
0x11: {  	s14 =	sadd.s32 s1, s10;
	s17 =	sadd.s32 $0x7080, s8;
	s25 =	sadd.s32 $0x8700, s8  }
0x12: {  	s26 =	sadd.s32 $0x9D80, s8;
	s28 =	sadd.s32 $0xB400, s8;
	[dreg:$0x11] =	wrdreg s17  }
0x13: {  	s15 =	sadd.s32 s0, s7;
	s0 =	sadd.s32 s6, s19;
	[dreg:$0x17] =	wrdreg s25  }
0x14: {  	s7 =	sshrl.u32 s24, $0x3;
	s9 =	sshrl.u32 s14, $0x3;
	[dreg:$0x18] =	wrdreg s26  }
0x15: {  	s19 =	sadd.s32 s10, s2;
	[dreg:$0x19] =	wrdreg s28;
	s10 =	simm.s32 $0x7  }
0x16: {  	s14 =	simm.s32 $0x5320;
	s17 =	simm.s32 $0x2;
	[dreg:$0x4] =	wrdreg s15  }
0x17: {  	s18 =	sadd.s32 $0x9C40, s15;
	[dreg:$0x7] =	wrdreg s0;
	s7 =	sadd.s32 s6, s7  }
0x18: {  	s15 =	sadd.s32 $0xD2F0, s11;
	s9 =	sadd.s32 s6, s9;
	s0 =	sadd.s32 s21, s2  }
0x19: {  	s21 =	sadd.s32 s12, s2;
	s22 =	sshrl.u32 s19, $0x3;
	[dreg:$0x5] =	wrdreg s18  }
0x1a: {  	s19 =	simm.s32 $0x73A0;
	[dreg:$0xd] =	wrdreg s7;
	s13 =	sadd.s32 s1, s15  }
0x1b: {  	s1 =	sadd.s32 s1, s12;
	[dreg:$0xe] =	wrdreg s9;
	s18 =	sadd.s32 s11, s2  }
0x1c: {  	s20 =	sadd.s32 s15, s2;
	s0 =	sshrl.u32 s0, $0x3;
	[dreg:$0x14] =	wrdreg s22  }
0x1d: {  	s24 =	sshrl.u32 s21, $0x3;
	s7 =	sadd.s32 $0x12480, s8;
	s12 =	simm.s32 $0x5D20  }
0x1e: {  	s15 =	simm.s32 $0x5AA0;
	s21 =	simm.s32 $0x6;
	s22 =	simm.s32 $0x0  }
0x1f: {  	s16 =	sshrl.u32 s13, $0x3;
	s1 =	sshrl.u32 s1, $0x3;
	[dreg:$0x13] =	wrdreg s0  }
0x20: {  	s23 =	sshrl.u32 s20, $0x3;
	[dreg:$0x16] =	wrdreg s24;
	s0 =	sadd.s32 $0xF780, s8  }
.Ltmp0:
0x21: {  	s13 =	simm.s32 $0x28;
	s20 =	simm.s32 $0x5;
	(pc) =	sbr.rel .LBB2_1-.Ltmp0, $4  }
0x22: {  	s9 =	sadd.s32 s6, s16;
	s1 =	sadd.s32 s6, s1;
	[dreg:$0x15] =	wrdreg s23  }
0x23: {  	s16 =	simm.s32 $0x1;
	s6 =	simm.s32 $0x3;
	[dreg:$0xf] =	wrdreg s9  }
0x24: {  	[dreg:$0x10] =	wrdreg s1;
	s1 =	sshrl.u32 s18, $0x3;
	s9 =	sadd.s32 $0x13B00, s8  }
0x25: {  	v0 =	vimm.f32 $0.0e+00;
	s18 =	simm.s32 $0x4;
	[dreg:$0x12] =	wrdreg s1;
	s1 =	sadd.s32 $0x10E00, s8  }
.LBB2_10:
0x26: {  	_ =	swait.ge [sflag:s20], $0x1680  }
0x27: {  	[sflag:s20] =	ssyncset.done $0x0  }
0x28: {  	[sflag:s20] =	ssyncadd.s32 $0xFFFFE980  }
0x29: {  	_ =	swait.ge [sflag:s21], $0x1680  }
0x2a: {  	[sflag:s21] =	ssyncset.done $0x0  }
0x2b: {  	[sflag:s21] =	ssyncadd.s32 $0xFFFFE980  }
0x2c: {  	s11 =	stileid.u32;
	[bflag:$0x0] =	sbarrier.arrive $0xFFFF  }
0x2d: {  	s11 =	sshll.u32 s11, $0x6;
	s23 =	rddreg [dreg:$0x7]  }
0x2e: {  	s11 =	sor.u32 $0x1C07, s11;
	s24 =	rddreg [dreg:$0x12]  }
0x2f: {  	[hbm:s23], [sflag:s11] =	dma.local [spmem:s24], $0x8CA  }
0x30: {  	_ =	swait.ge [sflag:s10], $0x8CA  }
0x31: {  	[sflag:s10] =	ssyncset.done $0x0;
	s26 =	rddreg [dreg:$0xd]  }
0x32: {  	s28 =	rddreg [dreg:$0x13];
	[sflag:s10] =	ssyncadd.s32 $0xFFFFF736  }
0x33: {  	[hbm:s26], [sflag:s11] =	dma.local [spmem:s28], $0x8CA  }
0x34: {  	_ =	swait.ge [sflag:s10], $0x8CA  }
0x35: {  	[sflag:s10] =	ssyncset.done $0x0;
	s24 =	rddreg [dreg:$0xe]  }
0x36: {  	s25 =	rddreg [dreg:$0x14];
	[sflag:s10] =	ssyncadd.s32 $0xFFFFF736  }
0x37: {  	[hbm:s24], [sflag:s11] =	dma.local [spmem:s25], $0x8CA  }
0x38: {  	_ =	swait.ge [sflag:s10], $0x8CA  }
0x39: {  	[sflag:s10] =	ssyncset.done $0x0;
	s26 =	rddreg [dreg:$0xf]  }
0x3a: {  	s28 =	rddreg [dreg:$0x15];
	[sflag:s10] =	ssyncadd.s32 $0xFFFFF736  }
0x3b: {  	[hbm:s26], [sflag:s11] =	dma.local [spmem:s28], $0x8CA  }
0x3c: {  	_ =	swait.ge [sflag:s10], $0x8CA  }
0x3d: {  	[sflag:s10] =	ssyncset.done $0x0;
	s25 =	rddreg [dreg:$0x10]  }
0x3e: {  	s26 =	rddreg [dreg:$0x16];
	[sflag:s10] =	ssyncadd.s32 $0xFFFFF736  }
0x3f: {  	[hbm:s25], [sflag:s11] =	dma.local [spmem:s26], $0x8CA  }
0x40: {  	_ =	swait.ge [sflag:s10], $0x8CA  }
0x41: {  	s22 =	sadd.s32 $0x1, s22;
	s28 =	rddreg [dreg:$0x8]  }
0x42: {  	p0 =	sne.s32 s22, s28  }
.Ltmp1:
0x43: {  	_ = 	snop;
	(pc) =	sbr.rel @!p0 .LBB2_11-.Ltmp1, $3  }
0x44: {  	_ =	sdelay $0x1  }
0x45: {  	[sflag:s10] =	ssyncset.done $0x0  }
0x46: {  	[sflag:s10] =	ssyncadd.s32 $0xFFFFF736  }
.LBB2_1:
0x47: {  	s11 =	rddreg [dreg:$0x4]  }
0x48: {  	[tilespmem:s3], [sflag:$0x7] =	stream.linear.gather [hbm4b:s11+s3], $0x2710, $0x38;
	[tilespmem:$0x1E9B0] =	vst v63  }
0x49: {  	_ =	swait.ge [sflag:s10], $0x2710  }
0x4a: {  	[sflag:s10] =	ssyncset.done $0x0  }
0x4b: {  	s28 =	rddreg [dreg:$0x5];
	[sflag:s10] =	ssyncadd.s32 $0xFFFFD8F0  }
0x4c: {  	[tilespmem:s29], [sflag:$0x7] =	stream.linear.gather [hbm4b:s28+s3], $0x2710, $0x38;
	[tilespmem:$0x1E9B0] =	vst v63  }
0x4d: {  	s29 =	smul.u32 $0xE38F, s3  }
0x4e: {  	_ =	swait.ge [sflag:s10], $0x2710  }
0x4f: {  	s23 =	simm.s32 $0x1;
	[sflag:s10] =	ssyncset.done $0x0;
	s24 =	sshrl.u32 s29, $0x13  }
0x50: {  	s25 =	simm.s32 $0x0;
	[sflag:s10] =	ssyncadd.s32 $0xFFFFD8F0;
	s26 =	smul.u32 $0x9, s24  }
.LBB2_2:
0x51: {  	s11 =	smul.u32 $0xE38F, s23  }
0x52: {  	s28 =	smov.u32 s23;
	s24 =	smul.u32 $0x240, s24;
	p0 =	sne.s32 s23, $0x167  }
.Ltmp2:
0x53: {  	s25 =	ssub.s32 s25, s26;
	(pc) =	sbr.rel @p0 .LBB2_2-.Ltmp2, $4  }
0x54: {  	s23 =	sadd.s32 $0x1, s23;
	s25 =	sand.u32 $0xFFFF, s25  }
0x55: {  	s26 =	sshrl.u32 s24, $0x2;
	s29 =	sshll.u32 s25, $0x4;
	s25 =	smov.u32 s28  }
0x56: {  	s24 =	sshrl.u32 s11, $0x13;
	s11 =	sadd.s32 s29, s26  }
0x57: {  	s26 =	smul.u32 $0x9, s24;
	[tilespmem:s11+$0x5D20] =	vst v0  }
0x58: {  	_ = 	snop  }
0x59: {  	s23 =	smul.u32 $0x240, s24;
	s11 =	ssub.s32 s25, s26  }
0x5a: {  	s11 =	sand.u32 $0xFFFF, s11  }
0x5b: {  	s23 =	sshrl.u32 s23, $0x2;
	s11 =	sshll.u32 s11, $0x4  }
0x5c: {  	s11 =	sadd.s32 s11, s23  }
0x5d: {  	[tilespmem:s11+$0x5D20] =	vst v0  }
0x5e: {  	[spmem:s8] =	stream.linear.scatter [tilespmem:s12], [sflag:$0x7], $0x1680, $0x38;
	[tilespmem:$0x1E9B0] =	vst v63  }
0x5f: {  	_ =	swait.ge [sflag:s10], $0x1680  }
0x60: {  	[sflag:s10] =	ssyncset.done $0x0  }
0x61: {  	s26 =	rddreg [dreg:$0x9];
	[sflag:s10] =	ssyncadd.s32 $0xFFFFE980  }
0x62: {  	[spmem:s26] =	stream.linear.scatter [tilespmem:s12], [sflag:$0x7], $0x1680, $0x38;
	[tilespmem:$0x1E9B0] =	vst v63  }
0x63: {  	_ =	swait.ge [sflag:s10], $0x1680  }
0x64: {  	[sflag:s10] =	ssyncset.done $0x0  }
0x65: {  	s28 =	rddreg [dreg:$0xa];
	[sflag:s10] =	ssyncadd.s32 $0xFFFFE980  }
0x66: {  	[spmem:s28] =	stream.linear.scatter [tilespmem:s12], [sflag:$0x7], $0x1680, $0x38;
	[tilespmem:$0x1E9B0] =	vst v63  }
0x67: {  	_ =	swait.ge [sflag:s10], $0x1680  }
0x68: {  	[sflag:s10] =	ssyncset.done $0x0  }
0x69: {  	s23 =	rddreg [dreg:$0xb];
	[sflag:s10] =	ssyncadd.s32 $0xFFFFE980  }
0x6a: {  	[spmem:s23] =	stream.linear.scatter [tilespmem:s12], [sflag:$0x7], $0x1680, $0x38;
	[tilespmem:$0x1E9B0] =	vst v63  }
0x6b: {  	_ =	swait.ge [sflag:s10], $0x1680  }
0x6c: {  	[sflag:s10] =	ssyncset.done $0x0  }
0x6d: {  	s24 =	rddreg [dreg:$0xc];
	[sflag:s10] =	ssyncadd.s32 $0xFFFFE980  }
0x6e: {  	[spmem:s24] =	stream.linear.scatter [tilespmem:s12], [sflag:$0x7], $0x1680, $0x38;
	[tilespmem:$0x1E9B0] =	vst v63  }
0x6f: {  	_ =	swait.ge [sflag:s10], $0x1680  }
0x70: {  	[sflag:s10] =	ssyncset.done $0x0  }
0x71: {  	s25 =	rddreg [dreg:$0x11];
	[sflag:s10] =	ssyncadd.s32 $0xFFFFE980  }
0x72: {  	[spmem:s25] =	stream.linear.scatter [tilespmem:s12], [sflag:$0x7], $0x1680, $0x38;
	[tilespmem:$0x1E9B0] =	vst v63  }
0x73: {  	_ =	swait.ge [sflag:s10], $0x1680  }
0x74: {  	[sflag:s10] =	ssyncset.done $0x0  }
0x75: {  	s26 =	rddreg [dreg:$0x17];
	[sflag:s10] =	ssyncadd.s32 $0xFFFFE980  }
0x76: {  	[spmem:s26] =	stream.linear.scatter [tilespmem:s12], [sflag:$0x7], $0x1680, $0x38;
	[tilespmem:$0x1E9B0] =	vst v63  }
0x77: {  	_ =	swait.ge [sflag:s10], $0x1680  }
0x78: {  	[sflag:s10] =	ssyncset.done $0x0  }
0x79: {  	s28 =	rddreg [dreg:$0x18];
	[sflag:s10] =	ssyncadd.s32 $0xFFFFE980  }
0x7a: {  	[spmem:s28] =	stream.linear.scatter [tilespmem:s12], [sflag:$0x7], $0x1680, $0x38;
	[tilespmem:$0x1E9B0] =	vst v63  }
0x7b: {  	_ =	swait.ge [sflag:s10], $0x1680  }
0x7c: {  	[sflag:s10] =	ssyncset.done $0x0  }
0x7d: {  	s23 =	rddreg [dreg:$0x19];
	[sflag:s10] =	ssyncadd.s32 $0xFFFFE980  }
0x7e: {  	[spmem:s23] =	stream.linear.scatter [tilespmem:s12], [sflag:$0x7], $0x1680, $0x38;
	[tilespmem:$0x1E9B0] =	vst v63  }
0x7f: {  	_ =	swait.ge [sflag:s10], $0x1680  }
0x80: {  	[sflag:s10] =	ssyncset.done $0x0  }
0x81: {  	[sflag:s10] =	ssyncadd.s32 $0xFFFFE980  }
0x82: {  	[spmem:s30] =	stream.linear.scatter [tilespmem:s12], [sflag:$0x7], $0x1680, $0x38;
	[tilespmem:$0x1E9B0] =	vst v63  }
0x83: {  	_ =	swait.ge [sflag:s10], $0x1680  }
0x84: {  	[sflag:s10] =	ssyncset.done $0x0  }
0x85: {  	[sflag:s10] =	ssyncadd.s32 $0xFFFFE980  }
0x86: {  	[spmem:s31] =	stream.linear.scatter [tilespmem:s12], [sflag:$0x7], $0x1680, $0x38;
	[tilespmem:$0x1E9B0] =	vst v63  }
0x87: {  	_ =	swait.ge [sflag:s10], $0x1680  }
0x88: {  	[sflag:s10] =	ssyncset.done $0x0  }
0x89: {  	[sflag:s10] =	ssyncadd.s32 $0xFFFFE980  }
0x8a: {  	[spmem:s0] =	stream.linear.scatter [tilespmem:s12], [sflag:$0x7], $0x1680, $0x38;
	[tilespmem:$0x1E9B0] =	vst v63  }
0x8b: {  	_ =	swait.ge [sflag:s10], $0x1680  }
0x8c: {  	[sflag:s10] =	ssyncset.done $0x0  }
0x8d: {  	[sflag:s10] =	ssyncadd.s32 $0xFFFFE980  }
0x8e: {  	[spmem:s1] =	stream.linear.scatter [tilespmem:s12], [sflag:$0x7], $0x1680, $0x38;
	[tilespmem:$0x1E9B0] =	vst v63  }
0x8f: {  	_ =	swait.ge [sflag:s10], $0x1680  }
0x90: {  	[sflag:s10] =	ssyncset.done $0x0  }
0x91: {  	[sflag:s10] =	ssyncadd.s32 $0xFFFFE980  }
0x92: {  	[spmem:s7] =	stream.linear.scatter [tilespmem:s12], [sflag:$0x7], $0x1680, $0x38;
	[tilespmem:$0x1E9B0] =	vst v63  }
0x93: {  	_ =	swait.ge [sflag:s10], $0x1680  }
0x94: {  	[sflag:s10] =	ssyncset.done $0x0  }
0x95: {  	[sflag:s10] =	ssyncadd.s32 $0xFFFFE980  }
0x96: {  	[spmem:s9] =	stream.linear.scatter [tilespmem:s12], [sflag:$0x7], $0x1680, $0x38;
	[tilespmem:$0x1E9B0] =	vst v63  }
0x97: {  	_ =	swait.ge [sflag:s10], $0x1680  }
0x98: {  	[sflag:s10] =	ssyncset.done $0x0  }
0x99: {  	s24 =	rddreg [dreg:$0x6];
	[sflag:s10] =	ssyncadd.s32 $0xFFFFE980  }
0x9a: {  	[spmem:s24] =	stream.linear.scatter [tilespmem:s12], [sflag:$0x7], $0xE10, $0x38;
	[tilespmem:$0x1E9B0] =	vst v63  }
0x9b: {  	_ =	swait.ge [sflag:s10], $0xE10  }
0x9c: {  	[sflag:s10] =	ssyncset.done $0x0  }
0x9d: {  	[sflag:s10] =	ssyncadd.s32 $0xFFFFF1F0  }
0x9e: {  	s25 =	simm.s32 $0x4E20;
	s23 =	simm.s32 $0x0;
	[bflag:$0x0] =	sbarrier.arrive $0xFFFF  }
0x9f: {  	[tilespmem:s25], [sflag:$0x1] =	stream.indirect.gather [hbm4b:s4+s13], $0x20, s23, s13, $0xb8;
	[tilespmem:$0x1E9B0] =	vst v63  }
0xa0: {  	s29 =	simm.s32 $0x2710;
	s26 =	simm.s32 $0x5820  }
0xa1: {  	[tilespmem:s26], [sflag:$0x3] =	stream.indirect.gather [hbm4b:s5+s13], $0x10, s29, s13, $0xb8;
	[tilespmem:$0x1E9B0] =	vst v63  }
0xa2: {  	_ = 	snop  }
0xa3: {  	[tilespmem:s14], [sflag:$0x2] =	stream.indirect.gather [hbm4b:s4+s13], $0x20, s13, s13, $0xb8;
	[tilespmem:$0x1E9B0] =	vst v63  }
0xa4: {  	s28 =	simm.s32 $0x2738  }
0xa5: {  	[tilespmem:s15], [sflag:$0x4] =	stream.indirect.gather [hbm4b:s5+s13], $0x10, s28, s13, $0xb8;
	[tilespmem:$0x1E9B0] =	vst v63  }
.LBB2_4:
0xa6: {  	_ =	swait.ge [sflag:s16], $0x500  }
0xa7: {  	[sflag:s16] =	ssyncset.done $0x0  }
0xa8: {  	[sflag:s16] =	ssyncadd.s32 $0xFFFFFB00  }
0xa9: {  	_ =	swait.ge [sflag:s6], $0x280  }
0xaa: {  	p0 =	seq.s32 s23, $0x0;
	[sflag:s6] =	ssyncset.done $0x0  }
0xab: {  	s11 =	simm.s32 @!p0 $0x5;
	[sflag:s6] =	ssyncadd.s32 $0xFFFFFD80  }
0xac: {  	_ =	swait.ge @!p0 [sflag:s11], $0x1680  }
0xad: {  	[sflag:s11] =	ssyncset.done @!p0 $0x0  }
0xae: {  	s26 =	simm.s32 $0x4E30;
	[sflag:s11] =	ssyncadd.s32 @!p0 $0xFFFFE980  }
0xaf: {  	s24 =	simm.s32 $0x0;
	v1 =	vld [tilespmem:s26+$0x0]  }
0xb0: {  	v2 =	vld [tilespmem:s24+$0x5820];
	_ =	sdelay $0x4  }
0xb1: {  	v1 =	vadd.f32 v2, v1;
	_ =	sdelay $0x1  }
0xb2: {  	v2 =	vmul.f32 $2.000000030e-01, v1;
	_ =	sdelay $0x1  }
0xb3: {  	v1 =	vmax.f32 v1, v2  }
0xb4: {  	v1 =	vmul.f32 $1.442695020e+00, v1;
	_ =	sdelay $0x1  }
0xb5: {  	(erf) = vpow2.f32 v1;
	_ =	sdelay $0x6  }
0xb6: {  	v1 =	vld [tilespmem:s26+$0xFFFFFFF0];
	_ =	sdelay $0x1  }
0xb7: {  	v2 =	vpop (erf)  }
0xb8: {  	v3 =	vbroadcast v2, $0x1  }
0xb9: {  	v4 =	vbroadcast v2, $0x0  }
0xba: {  	s24 =	simm.s32 $0x5D60;
	v5 =	vbroadcast v2, $0x2;
	v3 =	vmul.f32 v3, v1  }
0xbb: {  	[tilespmem:s24+$0x40] =	vst v2;
	v6 =	vbroadcast v2, $0x3;
	v4 =	vmul.f32 v4, v1  }
0xbc: {  	v7 =	vbroadcast v2, $0x5;
	v5 =	vmul.f32 v5, v1;
	[tilespmem:s24+$0xFFFFFFD0] =	vst v3  }
0xbd: {  	v62 =	vbroadcast v2, $0x6;
	v6 =	vmul.f32 v6, v1;
	[tilespmem:s24+$0xFFFFFFC0] =	vst v4  }
0xbe: {  	v63 =	vmul.f32 v7, v1;
	v3 =	vbroadcast v2, $0x4;
	[tilespmem:s24+$0xFFFFFFE0] =	vst v5  }
0xbf: {  	v2 =	vbroadcast v2, $0x7;
	[tilespmem:s24+$0xFFFFFFF0] =	vst v6;
	v4 =	vmul.f32 v62, v1  }
0xc0: {  	[tilespmem:s24+$0x10] =	vst v63;
	v3 =	vmul.f32 v3, v1  }
0xc1: {  	v1 =	vmul.f32 v2, v1;
	[tilespmem:s24+$0x20] =	vst v4  }
0xc2: {  	[tilespmem:s24+$0x0] =	vst v3  }
0xc3: {  	s25 =	simm.s32 $0x4E50;
	[tilespmem:s24+$0x30] =	vst v1  }
0xc4: {  	s28 =	simm.s32 $0x10;
	s26 =	simm.s32 $0x80;
	v1 =	vld [tilespmem:s25+$0x0]  }
.LBB2_5:
0xc5: {  	p1 =	sne.s32 s26, $0x9C0;
	v2 =	vld [tilespmem:s28+$0x5820];
	_ =	sdelay $0x4  }
0xc6: {  	v1 =	vadd.f32 v2, v1;
	_ =	sdelay $0x1  }
0xc7: {  	v2 =	vmul.f32 $2.000000030e-01, v1;
	_ =	sdelay $0x1  }
0xc8: {  	v1 =	vmax.f32 v1, v2  }
0xc9: {  	v1 =	vmul.f32 $1.442695020e+00, v1;
	_ =	sdelay $0x1  }
0xca: {  	(erf) = vpow2.f32 v1;
	_ =	sdelay $0x6  }
0xcb: {  	v1 =	vld [tilespmem:s25+$0xFFFFFFF0];
	_ =	sdelay $0x1  }
0xcc: {  	s24 =	sadd.s32 $0x90, s24;
	v2 =	vpop (erf)  }
0xcd: {  	[tilespmem:s24+$0x40] =	vst v2;
	v3 =	vbroadcast v2, $0x0;
	v4 =	vbroadcast v2, $0x1  }
0xce: {  	v5 =	vbroadcast v2, $0x2;
	v6 =	vbroadcast v2, $0x3  }
0xcf: {  	v3 =	vmul.f32 v3, v1;
	v4 =	vmul.f32 v4, v1  }
0xd0: {  	v5 =	vmul.f32 v5, v1;
	v6 =	vmul.f32 v6, v1  }
0xd1: {  	v7 =	vbroadcast v2, $0x5;
	[tilespmem:s24+$0xFFFFFFD0] =	vst v4;
	v4 =	vbroadcast v2, $0x4  }
0xd2: {  	[tilespmem:s24+$0xFFFFFFC0] =	vst v3;
	v3 =	vbroadcast v2, $0x6;
	v2 =	vbroadcast v2, $0x7  }
0xd3: {  	[tilespmem:s24+$0xFFFFFFE0] =	vst v5;
	v4 =	vmul.f32 v4, v1;
	v5 =	vmul.f32 v7, v1  }
0xd4: {  	[tilespmem:s24+$0xFFFFFFF0] =	vst v6;
	v3 =	vmul.f32 v3, v1;
	v1 =	vmul.f32 v2, v1  }
.Ltmp3:
0xd5: {  	[tilespmem:s24+$0x0] =	vst v4;
	(pc) =	sbr.rel @p1 .LBB2_5-.Ltmp3, $4  }
0xd6: {  	[tilespmem:s24+$0x10] =	vst v5  }
0xd7: {  	[tilespmem:s24+$0x20] =	vst v3  }
0xd8: {  	s25 =	sadd.s32 $0x20, s25;
	[tilespmem:s24+$0x30] =	vst v1  }
0xd9: {  	s28 =	sshra.s32 s26, $0x2;
	s26 =	sadd.s32 $0x40, s26;
	v1 =	vld [tilespmem:s25+$0x0]  }
0xda: {  	v2 =	vld [tilespmem:s28+$0x5820];
	_ =	sdelay $0x4  }
0xdb: {  	v1 =	vadd.f32 v2, v1;
	_ =	sdelay $0x1  }
0xdc: {  	v2 =	vmul.f32 $2.000000030e-01, v1;
	_ =	sdelay $0x1  }
0xdd: {  	v1 =	vmax.f32 v1, v2  }
0xde: {  	v1 =	vmul.f32 $1.442695020e+00, v1;
	_ =	sdelay $0x1  }
0xdf: {  	(erf) = vpow2.f32 v1;
	_ =	sdelay $0x6  }
0xe0: {  	v1 =	vld [tilespmem:s25+$0xFFFFFFF0];
	_ =	sdelay $0x1  }
0xe1: {  	v2 =	vpop (erf)  }
0xe2: {  	v3 =	vbroadcast v2, $0x1  }
0xe3: {  	v4 =	vbroadcast v2, $0x0  }
0xe4: {  	s11 =	sadd.s32 $0x90, s24;
	v5 =	vbroadcast v2, $0x2;
	v3 =	vmul.f32 v3, v1  }
0xe5: {  	[tilespmem:s11+$0x40] =	vst v2;
	v6 =	vbroadcast v2, $0x3;
	v4 =	vmul.f32 v4, v1  }
0xe6: {  	v7 =	vbroadcast v2, $0x5;
	v5 =	vmul.f32 v5, v1;
	[tilespmem:s11+$0xFFFFFFD0] =	vst v3  }
0xe7: {  	v56 =	vbroadcast v2, $0x6;
	v6 =	vmul.f32 v6, v1;
	[tilespmem:s11+$0xFFFFFFC0] =	vst v4  }
0xe8: {  	v57 =	vmul.f32 v7, v1;
	v3 =	vbroadcast v2, $0x4;
	[tilespmem:s11+$0xFFFFFFE0] =	vst v5  }
0xe9: {  	v2 =	vbroadcast v2, $0x7;
	[tilespmem:s11+$0xFFFFFFF0] =	vst v6;
	v4 =	vmul.f32 v56, v1  }
0xea: {  	s25 =	smul.u32 $0x140, s23;
	[tilespmem:s11+$0x10] =	vst v57;
	v3 =	vmul.f32 v3, v1  }
0xeb: {  	v1 =	vmul.f32 v2, v1;
	[tilespmem:s11+$0x20] =	vst v4  }
0xec: {  	p1 =	seq.s32 s23, $0x7C;
	s24 =	sshra.s32 s25, $0x2;
	[tilespmem:s11+$0x0] =	vst v3  }
0xed: {  	s25 =	smul.u32 @!p1 $0x50, s23;
	s26 =	sadd.s32 $0x2710, s24;
	[tilespmem:s11+$0x30] =	vst v1  }
0xee: {  	[spmem:s2] =	stream.indirect.scatter.add.f32 [tilespmem:s12], [sflag:$0x5], $0x90, s26, s13, $0xb8;
	[tilespmem:$0x1E9B0] =	vst v63  }
0xef: {  	s28 =	simm.s32 @!p1 $0x4E20;
	s11 =	sadd.s32 @!p1 $0x50, s25;
	s26 =	simm.s32 @!p1 $0x28  }
0xf0: {  	[tilespmem:s28], [sflag:$0x1] =	stream.indirect.gather @!p1 [hbm4b:s4+s26], $0x20, s11, s26, $0xb8;
	[tilespmem:$0x1E9B0] =	vst v63  }
0xf1: {  	s11 =	sadd.s32 @!p1 $0x2760, s25;
	s25 =	simm.s32 @!p1 $0x5820  }
0xf2: {  	[tilespmem:s25], [sflag:$0x3] =	stream.indirect.gather @!p1 [hbm4b:s5+s26], $0x10, s11, s26, $0xb8;
	[tilespmem:$0x1E9B0] =	vst v63  }
0xf3: {  	_ =	swait.ge [sflag:s17], $0x500  }
0xf4: {  	[sflag:s17] =	ssyncset.done $0x0  }
0xf5: {  	[sflag:s17] =	ssyncadd.s32 $0xFFFFFB00  }
0xf6: {  	_ =	swait.ge [sflag:s18], $0x280  }
0xf7: {  	[sflag:s18] =	ssyncset.done $0x0  }
0xf8: {  	s11 =	simm.s32 @!p0 $0x6;
	[sflag:s18] =	ssyncadd.s32 $0xFFFFFD80  }
0xf9: {  	_ =	swait.ge @!p0 [sflag:s11], $0x1680  }
0xfa: {  	[sflag:s11] =	ssyncset.done @!p0 $0x0  }
0xfb: {  	[sflag:s11] =	ssyncadd.s32 @!p0 $0xFFFFE980;
	s11 =	simm.s32 $0x5330  }
0xfc: {  	s26 =	simm.s32 $0x0;
	v1 =	vld [tilespmem:s11+$0x0]  }
0xfd: {  	v2 =	vld [tilespmem:s26+$0x5AA0];
	_ =	sdelay $0x4  }
0xfe: {  	v1 =	vadd.f32 v2, v1;
	_ =	sdelay $0x1  }
0xff: {  	v2 =	vmul.f32 $2.000000030e-01, v1;
	_ =	sdelay $0x1  }
0x100: {  	v1 =	vmax.f32 v1, v2  }
0x101: {  	v1 =	vmul.f32 $1.442695020e+00, v1;
	_ =	sdelay $0x1  }
0x102: {  	(erf) = vpow2.f32 v1;
	_ =	sdelay $0x6  }
0x103: {  	v1 =	vld [tilespmem:s11+$0xFFFFFFF0];
	_ =	sdelay $0x1  }
0x104: {  	v2 =	vpop (erf)  }
0x105: {  	v3 =	vbroadcast v2, $0x1  }
0x106: {  	v58 =	vbroadcast v2, $0x0  }
0x107: {  	s25 =	simm.s32 $0x73E0;
	v59 =	vbroadcast v2, $0x2;
	v3 =	vmul.f32 v3, v1  }
0x108: {  	[tilespmem:s25+$0x40] =	vst v2;
	v60 =	vbroadcast v2, $0x3;
	v4 =	vmul.f32 v58, v1  }
0x109: {  	v61 =	vbroadcast v2, $0x5;
	v5 =	vmul.f32 v59, v1;
	[tilespmem:s25+$0xFFFFFFD0] =	vst v3  }
0x10a: {  	v62 =	vbroadcast v2, $0x6;
	v6 =	vmul.f32 v60, v1;
	[tilespmem:s25+$0xFFFFFFC0] =	vst v4  }
0x10b: {  	v63 =	vmul.f32 v61, v1;
	v3 =	vbroadcast v2, $0x4;
	[tilespmem:s25+$0xFFFFFFE0] =	vst v5  }
0x10c: {  	v2 =	vbroadcast v2, $0x7;
	[tilespmem:s25+$0xFFFFFFF0] =	vst v6;
	v4 =	vmul.f32 v62, v1  }
0x10d: {  	[tilespmem:s25+$0x10] =	vst v63;
	v3 =	vmul.f32 v3, v1  }
0x10e: {  	v1 =	vmul.f32 v2, v1;
	[tilespmem:s25+$0x20] =	vst v4  }
0x10f: {  	[tilespmem:s25+$0x0] =	vst v3  }
0x110: {  	s26 =	simm.s32 $0x5350;
	[tilespmem:s25+$0x30] =	vst v1  }
0x111: {  	s28 =	simm.s32 $0x80;
	s11 =	simm.s32 $0x10;
	v1 =	vld [tilespmem:s26+$0x0]  }
.LBB2_7:
0x112: {  	p0 =	sne.s32 s28, $0x9C0;
	v2 =	vld [tilespmem:s11+$0x5AA0];
	_ =	sdelay $0x4  }
0x113: {  	v1 =	vadd.f32 v2, v1;
	_ =	sdelay $0x1  }
0x114: {  	v2 =	vmul.f32 $2.000000030e-01, v1;
	_ =	sdelay $0x1  }
0x115: {  	v1 =	vmax.f32 v1, v2  }
0x116: {  	v1 =	vmul.f32 $1.442695020e+00, v1;
	_ =	sdelay $0x1  }
0x117: {  	(erf) = vpow2.f32 v1;
	_ =	sdelay $0x6  }
0x118: {  	v1 =	vld [tilespmem:s26+$0xFFFFFFF0];
	_ =	sdelay $0x1  }
0x119: {  	s25 =	sadd.s32 $0x90, s25;
	v2 =	vpop (erf)  }
0x11a: {  	[tilespmem:s25+$0x40] =	vst v2;
	v3 =	vbroadcast v2, $0x0;
	v4 =	vbroadcast v2, $0x1  }
0x11b: {  	v5 =	vbroadcast v2, $0x2;
	v6 =	vbroadcast v2, $0x3  }
0x11c: {  	v3 =	vmul.f32 v3, v1;
	v4 =	vmul.f32 v4, v1  }
0x11d: {  	v5 =	vmul.f32 v5, v1;
	v6 =	vmul.f32 v6, v1  }
0x11e: {  	v7 =	vbroadcast v2, $0x5;
	[tilespmem:s25+$0xFFFFFFD0] =	vst v4;
	v4 =	vbroadcast v2, $0x4  }
0x11f: {  	[tilespmem:s25+$0xFFFFFFC0] =	vst v3;
	v3 =	vbroadcast v2, $0x6;
	v2 =	vbroadcast v2, $0x7  }
0x120: {  	[tilespmem:s25+$0xFFFFFFE0] =	vst v5;
	v4 =	vmul.f32 v4, v1;
	v5 =	vmul.f32 v7, v1  }
0x121: {  	[tilespmem:s25+$0xFFFFFFF0] =	vst v6;
	v3 =	vmul.f32 v3, v1;
	v1 =	vmul.f32 v2, v1  }
.Ltmp4:
0x122: {  	[tilespmem:s25+$0x0] =	vst v4;
	(pc) =	sbr.rel @p0 .LBB2_7-.Ltmp4, $4  }
0x123: {  	[tilespmem:s25+$0x10] =	vst v5  }
0x124: {  	[tilespmem:s25+$0x20] =	vst v3  }
0x125: {  	s26 =	sadd.s32 $0x20, s26;
	[tilespmem:s25+$0x30] =	vst v1  }
0x126: {  	s11 =	sshra.s32 s28, $0x2;
	s28 =	sadd.s32 $0x40, s28;
	v1 =	vld [tilespmem:s26+$0x0]  }
0x127: {  	v2 =	vld [tilespmem:s11+$0x5AA0];
	_ =	sdelay $0x4  }
0x128: {  	v1 =	vadd.f32 v2, v1;
	_ =	sdelay $0x1  }
0x129: {  	v2 =	vmul.f32 $2.000000030e-01, v1;
	_ =	sdelay $0x1  }
0x12a: {  	v1 =	vmax.f32 v1, v2  }
0x12b: {  	v1 =	vmul.f32 $1.442695020e+00, v1;
	_ =	sdelay $0x1  }
0x12c: {  	(erf) = vpow2.f32 v1;
	_ =	sdelay $0x6  }
0x12d: {  	v1 =	vld [tilespmem:s26+$0xFFFFFFF0];
	_ =	sdelay $0x1  }
0x12e: {  	v2 =	vpop (erf)  }
0x12f: {  	v3 =	vbroadcast v2, $0x1  }
0x130: {  	v4 =	vbroadcast v2, $0x0  }
0x131: {  	s26 =	sadd.s32 $0x90, s25;
	v5 =	vbroadcast v2, $0x2;
	v3 =	vmul.f32 v3, v1  }
0x132: {  	[tilespmem:s26+$0x40] =	vst v2;
	v6 =	vbroadcast v2, $0x3;
	v4 =	vmul.f32 v4, v1  }
0x133: {  	v7 =	vbroadcast v2, $0x5;
	v5 =	vmul.f32 v5, v1;
	[tilespmem:s26+$0xFFFFFFD0] =	vst v3  }
0x134: {  	v62 =	vbroadcast v2, $0x6;
	v6 =	vmul.f32 v6, v1;
	[tilespmem:s26+$0xFFFFFFC0] =	vst v4  }
0x135: {  	v63 =	vmul.f32 v7, v1;
	v3 =	vbroadcast v2, $0x4;
	[tilespmem:s26+$0xFFFFFFE0] =	vst v5  }
0x136: {  	v2 =	vbroadcast v2, $0x7;
	[tilespmem:s26+$0xFFFFFFF0] =	vst v6;
	v4 =	vmul.f32 v62, v1  }
.Ltmp5:
0x137: {  	[tilespmem:s26+$0x10] =	vst v63;
	v3 =	vmul.f32 v3, v1;
	(pc) =	sbr.rel @p1 .LBB2_10-.Ltmp5, $4  }
0x138: {  	v1 =	vmul.f32 v2, v1;
	[tilespmem:s26+$0x20] =	vst v4  }
0x139: {  	[tilespmem:s26+$0x0] =	vst v3  }
0x13a: {  	s28 =	sadd.s32 $0x2738, s24;
	[tilespmem:s26+$0x30] =	vst v1  }
0x13b: {  	[spmem:s2] =	stream.indirect.scatter.add.f32 [tilespmem:s19], [sflag:$0x6], $0x90, s28, s13, $0xb8;
	[tilespmem:$0x1E9B0] =	vst v63  }
0x13c: {  	s11 =	smul.u32 $0x50, s23  }
.Ltmp6:
0x13d: {  	_ = 	snop;
	(pc) =	sbr.rel .LBB2_4-.Ltmp6, $4  }
0x13e: {  	s24 =	sadd.s32 $0x78, s11  }
0x13f: {  	[tilespmem:s14], [sflag:$0x2] =	stream.indirect.gather [hbm4b:s4+s13], $0x20, s24, s13, $0xb8;
	[tilespmem:$0x1E9B0] =	vst v63  }
0x140: {  	s23 =	sadd.s32 $0x1, s23;
	s11 =	sadd.s32 $0x2788, s11  }
0x141: {  	[tilespmem:s15], [sflag:$0x4] =	stream.indirect.gather [hbm4b:s5+s13], $0x10, s11, s13, $0xb8;
	[tilespmem:$0x1E9B0] =	vst v63  }
.LBB2_11:
0x142: {  	_ =	sfence.sel $0x180000  }
0x143: {  	[bflag:$0x0] =	sbarrier.arrive $0xFFFF  }
0x144: {  	_ =	strace $0x90000047  }
0x145: {  	s0 =	stileid.u32;
	[bflag:$0x2] =	sbarrier.arrive $0xFFFF  }
0x146: {  	p0 =	sne.s32 s0, $0x0;
	s0 =	rddreg [dreg:$0x3]  }
0x147: {  	s0 =	sadd.s32 @!p0 $0x100000, s0  }
0x148: {  	[sflag:s0] =	ssyncadd.tile.s32 @!p0 $0x1;
	_ =	shalt  }
.Lfunc_end2:
_tile_overlayer_lowered:
.L_overlay_start_2:
0x149: {  	(tag) =	ssettag $0x2  }
0x14a: {  	s0 =	rddreg [dreg:$0x0];
	s2 =	stileid.u32  }
0x14b: {  	s1 =	rddreg [dreg:$0x1];
	p0 =	sne.s32 s2, $0x0  }
0x14c: {  	s3 =	rddreg [dreg:$0x2];
	[bflag:$0x3] =	sbarrier.arrive $0xFFFF;
	s2 =	simm.s32 @!p0 $0x1C07  }
0x14d: {  	[timem:s3], [sflag:s2] =	dma.local @!p0 [hbm:s0], s1  }
0x14e: {  	s0 =	simm.s32 @!p0 $0x7  }
0x14f: {  	_ =	swait.ge @!p0 [sflag:s0], s1  }
0x150: {  	s1 =	ssub.s32 @!p0 $0x0, s1;
	[sflag:s0] =	ssyncset.done @!p0 $0x0  }
0x151: {  	[sflag:s0] =	ssyncadd.s32 @!p0 s1  }
0x152: {  	[bflag:$0x3] =	sbarrier.arrive $0xFFFF  }
0x153: {  	_ =	shalt  }

</sc_bundles>
